<compile_context>
chip_gen: v7x
topology: tpu7x:2x2x1
jax: 0.10.2.dev20260603
libtpu: 0.0.44.dev20260713+nightly
codegen_flags: <defaults>
</compile_context>

<pallas_src>
import functools

import jax
import jax.numpy as jnp
from jax import lax
from jax.experimental import pallas as pl
from jax.experimental.pallas import tpu as pltpu
from jax.experimental.pallas import tpu_sc as plsc

N_NODES = 10000
N_EDGES = 160000
FEAT = 256
HALF = 128
NSUB = 16
EDGES_PER_TILE = N_EDGES // NSUB
CHUNK = 125
NCHUNK = EDGES_PER_TILE // CHUNK
NPASS = 2
CPP = NCHUNK // NPASS
ROWS_PER_TILE = 624
TAIL_BASE = NSUB * ROWS_PER_TILE
TAIL = N_NODES - TAIL_BASE
CNT_W = 128
CNT_OUT = 16
BLK = 1000


def _sc_aggregate(xt, dst_r, src_r, zrow, ones):
    mesh = plsc.VectorSubcoreMesh(core_axis_name="c", subcore_axis_name="s",
                                  num_cores=2, num_subcores=NSUB)

    @functools.partial(
        pl.kernel,
        out_type=(
            jax.ShapeDtypeStruct((2, N_NODES, HALF), jnp.float32),
            jax.ShapeDtypeStruct((2, N_NODES, CNT_W), jnp.float32),
        ),
        mesh=mesh,
        scratch_types=[
            pltpu.VMEM((CPP, CHUNK), jnp.int32),
            pltpu.VMEM((CPP, CHUNK), jnp.int32),
            pltpu.VMEM((CHUNK, HALF), jnp.float32),
            pltpu.VMEM((CHUNK, HALF), jnp.float32),
            pltpu.VMEM_SHARED((N_NODES, HALF), jnp.float32),
            pltpu.SemaphoreType.DMA,
            pltpu.SemaphoreType.DMA,
        ],
    )
    def agg_kernel(x_hbm, dst_hbm, src_hbm, zrow_hbm, ones_hbm,
                   sums_hbm, cnt_hbm, src_v, dst_v, rows0_v, rows1_v, acc,
                   sem0, sem1):
        c = lax.axis_index("c")
        s = lax.axis_index("s")
        base_row = s * ROWS_PER_TILE

        def zero_acc():
            pltpu.sync_copy(zrow_hbm, acc.at[pl.ds(base_row, ROWS_PER_TILE)])

            @pl.when(s == NSUB - 1)
            def _():
                pltpu.sync_copy(zrow_hbm.at[pl.ds(0, TAIL)],
                                acc.at[pl.ds(TAIL_BASE, TAIL)])

        def write_out(out_hbm):
            pltpu.sync_copy(acc.at[pl.ds(base_row, ROWS_PER_TILE)],
                            out_hbm.at[c].at[pl.ds(base_row, ROWS_PER_TILE)])

            @pl.when(s == NSUB - 1)
            def _():
                pltpu.sync_copy(acc.at[pl.ds(TAIL_BASE, TAIL)],
                                out_hbm.at[c].at[pl.ds(TAIL_BASE, TAIL)])

        zero_acc()
        plsc.subcore_barrier()

        x_view = x_hbm.at[:, pl.ds(c * HALF, HALF)]

        @pl.loop(0, NPASS)
        def _(p):
            pltpu.sync_copy(src_hbm.at[s].at[pl.ds(p * CPP, CPP)], src_v)
            pltpu.sync_copy(dst_hbm.at[s].at[pl.ds(p * CPP, CPP)], dst_v)
            pltpu.async_copy(x_view.at[src_v.at[0]], rows0_v, sem0)

            @pl.loop(0, CPP // 2)
            def _(k):
                j0 = 2 * k
                g1 = pltpu.async_copy(x_view.at[src_v.at[j0 + 1]], rows1_v,
                                      sem1)
                pltpu.make_async_copy(x_view.at[src_v.at[j0]], rows0_v,
                                      sem0).wait()
                pltpu.sync_copy(rows0_v, acc.at[dst_v.at[j0]], add=True)

                @pl.when(j0 + 2 < CPP)
                def _():
                    pltpu.async_copy(x_view.at[src_v.at[j0 + 2]], rows0_v,
                                     sem0)

                g1.wait()
                pltpu.sync_copy(rows1_v, acc.at[dst_v.at[j0 + 1]], add=True)

        plsc.subcore_barrier()
        write_out(sums_hbm)
        plsc.subcore_barrier()

        zero_acc()
        pltpu.sync_copy(ones_hbm, rows0_v)
        pltpu.sync_copy(dst_hbm.at[s].at[pl.ds(c * CPP, CPP)], dst_v)
        plsc.subcore_barrier()

        @pl.loop(0, CPP)
        def _(j):
            pltpu.sync_copy(rows0_v, acc.at[dst_v.at[j]], add=True)

        plsc.subcore_barrier()
        write_out(cnt_hbm)

    return agg_kernel(xt, dst_r, src_r, zrow, ones)


def _tc_combine(features, sums2, counts, weight):
    def body(x_ref, s_ref, c_ref, w_ref, o_ref):
        w = w_ref[...]
        nodes = jnp.dot(x_ref[...], w, preferred_element_type=jnp.float32)
        agg = jnp.concatenate([s_ref[0], s_ref[1]], axis=-1)
        cnt = (c_ref[0] + c_ref[1])[:, :1]
        agg = agg / jnp.maximum(cnt, 1.0)
        msgs = jnp.dot(agg, w, preferred_element_type=jnp.float32)
        o_ref[...] = jnp.concatenate([nodes, msgs], axis=-1)

    return pl.pallas_call(
        body,
        grid=(N_NODES // BLK,),
        in_specs=[
            pl.BlockSpec((BLK, FEAT), lambda i: (i, 0)),
            pl.BlockSpec((2, BLK, HALF), lambda i: (0, i, 0)),
            pl.BlockSpec((2, BLK, CNT_W), lambda i: (0, i, 0)),
            pl.BlockSpec((FEAT, FEAT), lambda i: (0, 0)),
        ],
        out_specs=pl.BlockSpec((BLK, 2 * FEAT), lambda i: (i, 0)),
        out_shape=jax.ShapeDtypeStruct((N_NODES, 2 * FEAT), jnp.float32),
    )(features, sums2, counts, weight)


def kernel(features, edge_index, weight):
    dst_r = edge_index[0].reshape(NSUB, NCHUNK, CHUNK)
    src_r = edge_index[1].reshape(NSUB, NCHUNK, CHUNK)
    zrow = jnp.zeros((ROWS_PER_TILE, HALF), jnp.float32)
    ones = jnp.ones((CHUNK, HALF), jnp.float32)
    sums2, counts = _sc_aggregate(features, dst_r, src_r, zrow, ones)
    return _tc_combine(features, sums2, counts, weight)

# --- scband reference (transcript-rebuilt; emitter-appended) ---
"""Pipeline reference for scband-graph-conv-78159814853050 (READ-ONLY COPY).

The authoritative reference and input builder live on the scoring server;
editing this copy changes nothing except your own understanding.
"""

import jax, jax.numpy as jnp
import numpy as np

N_NODES = 10000
N_EDGES = 160000
IN_FEAT = 256
OUT_FEAT = 256


def setup_inputs(seed: int = 0) -> dict:
    key = jax.random.key(seed)
    k1, k2, k3 = jax.random.split(key, 3)
    features = jax.random.normal(k1, (N_NODES, IN_FEAT), dtype=jnp.float32)
    edge_index = jax.random.randint(k2, (2, N_EDGES), 0, N_NODES, dtype=jnp.int32)
    # xavier_uniform init for weight (in_feat, out_feat)
    limit = float(np.sqrt(6.0 / (IN_FEAT + OUT_FEAT)))
    weight = jax.random.uniform(k3, (IN_FEAT, OUT_FEAT), dtype=jnp.float32, minval=-limit, maxval=limit)
    return {"features": features, "edge_index": edge_index, "weight": weight}


def reference(features, edge_index, weight):
    num_nodes = features.shape[0]
    # compute_nodes_representation: features @ W
    nodes_representation = jnp.matmul(features, weight)
    # compute_aggregated_messages: gather neighbors by src=edge_index[1],
    # scatter-mean onto dst=edge_index[0], then @ W
    neighbor_representations = features[edge_index[1]]
    dst = edge_index[0]
    sums = jax.ops.segment_sum(neighbor_representations, dst, num_segments=num_nodes)
    counts = jax.ops.segment_sum(jnp.ones((neighbor_representations.shape[0],), dtype=features.dtype), dst, num_segments=num_nodes)
    aggregated = sums / jnp.clip(counts, 1.0)[:, None]
    aggregated_messages = jnp.matmul(aggregated, weight)
    # update: combination_type == 'concat', activation == None
    h = jnp.concatenate([nodes_representation, aggregated_messages], axis=-1)
    return h

if __name__ == "__main__":
    import jax
    _d = setup_inputs()
    print(jax.jit(kernel)(*tuple(_d.values())))

</pallas_src>

<mosaic_0001>
#map = affine_map<(d0, d1) -> (0, 0)>
#map1 = affine_map<(d0, d1) -> (0, 0, 0)>
module attributes {stable_mosaic.version = 14 : i64} {
  func.func @agg_kernel(%arg0: i32, %arg1: i32, %arg2: memref<10000x256xf32, #tpu.memory_space<hbm>>, %arg3: memref<16x80x125xi32, #tpu.memory_space<hbm>>, %arg4: memref<16x80x125xi32, #tpu.memory_space<hbm>>, %arg5: memref<624x128xf32, #tpu.memory_space<hbm>>, %arg6: memref<125x128xf32, #tpu.memory_space<hbm>>, %arg7: memref<2x10000x128xf32, #tpu.memory_space<hbm>>, %arg8: memref<2x10000x128xf32, #tpu.memory_space<hbm>>, %arg9: memref<40x125xi32, #tpu.memory_space<vmem>>, %arg10: memref<40x125xi32, #tpu.memory_space<vmem>>, %arg11: memref<125x128xf32, #tpu.memory_space<vmem>>, %arg12: memref<125x128xf32, #tpu.memory_space<vmem>>, %arg13: memref<10000x128xf32, #tpu.memory_space<vmem_shared>>, %arg14: memref<!tpu.dma_semaphore, #tpu.memory_space<semaphore_mem>>, %arg15: memref<!tpu.dma_semaphore, #tpu.memory_space<semaphore_mem>>) attributes {dimension_semantics = [#tpu.dimension_semantics<core_parallel>, #tpu.dimension_semantics<subcore_parallel>], iteration_bounds = array<i64: 2, 16>, scalar_prefetch = 0 : i64, scratch_operands = 7 : i64, tpu.core_type = #tpu.core_type<sc_vector_subcore>, window_params = [{transform_indices = #map}, {transform_indices = #map1}, {transform_indices = #map1}, {transform_indices = #map}, {transform_indices = #map}, {transform_indices = #map1}, {transform_indices = #map1}]} {
    %mul3A = arith.constant 624 : i32
    %mul3A_0 = arith.muli %arg1, %mul3A : i32
    "tpu.region"() ({
      %run_scoped3A = tpu.sem_alloc : memref<!tpu.dma_semaphore, #tpu.memory_space<semaphore_mem>>
      %dma_start3A = arith.constant 0 : i32
      %dma_start3A_35 = tpu.memref_slice %arg13[%mul3A_0, %dma_start3A] : memref<10000x128xf32, #tpu.memory_space<vmem_shared>> -> memref<624x128xf32, #tpu.memory_space<vmem_shared>>
      tpu.enqueue_dma source(%arg5 : memref<624x128xf32, #tpu.memory_space<hbm>>) target(%dma_start3A_35 : memref<624x128xf32, #tpu.memory_space<vmem_shared>>) target_semaphore(%run_scoped3A : memref<!tpu.dma_semaphore, #tpu.memory_space<semaphore_mem>>)
      %dma_wait3A = arith.constant 0 : i32
      %dma_wait3A_36 = tpu.memref_slice %arg13[%mul3A_0, %dma_wait3A] : memref<10000x128xf32, #tpu.memory_space<vmem_shared>> -> memref<624x128xf32, #tpu.memory_space<vmem_shared>>
      tpu.wait_dma2 semaphore(%run_scoped3A : memref<!tpu.dma_semaphore, #tpu.memory_space<semaphore_mem>>) src(%arg5 : memref<624x128xf32, #tpu.memory_space<hbm>>) dst(%dma_wait3A_36 : memref<624x128xf32, #tpu.memory_space<vmem_shared>>)
      tpu.yield
    }) : () -> ()
    %eq3A = arith.constant 15 : i32
    %eq3A_1 = arith.cmpi eq, %arg1, %eq3A : i32
    %convert_element_type3A = arith.extui %eq3A_1 : i1 to i32
    %cond3A = arith.constant 0 : i32
    %cond3A_2 = arith.cmpi ne, %convert_element_type3A, %cond3A : i32
    scf.if %cond3A_2 {
      "tpu.region"() ({
        %run_scoped3A = tpu.sem_alloc : memref<!tpu.dma_semaphore, #tpu.memory_space<semaphore_mem>>
        %dma_start3A = arith.constant 9984 : i32
        %dma_start3A_35 = arith.constant 0 : i32
        %dma_start3A_36 = tpu.memref_slice %arg13[%dma_start3A, %dma_start3A_35] : memref<10000x128xf32, #tpu.memory_space<vmem_shared>> -> memref<16x128xf32, #tpu.memory_space<vmem_shared>>
        %dma_start3A_37 = arith.constant 0 : i32
        %dma_start3A_38 = arith.constant 0 : i32
        %dma_start3A_39 = tpu.memref_slice %arg5[%dma_start3A_37, %dma_start3A_38] : memref<624x128xf32, #tpu.memory_space<hbm>> -> memref<16x128xf32, #tpu.memory_space<hbm>>
        tpu.enqueue_dma source(%dma_start3A_39 : memref<16x128xf32, #tpu.memory_space<hbm>>) target(%dma_start3A_36 : memref<16x128xf32, #tpu.memory_space<vmem_shared>>) target_semaphore(%run_scoped3A : memref<!tpu.dma_semaphore, #tpu.memory_space<semaphore_mem>>)
        %dma_wait3A = arith.constant 9984 : i32
        %dma_wait3A_40 = arith.constant 0 : i32
        %dma_wait3A_41 = tpu.memref_slice %arg13[%dma_wait3A, %dma_wait3A_40] : memref<10000x128xf32, #tpu.memory_space<vmem_shared>> -> memref<16x128xf32, #tpu.memory_space<vmem_shared>>
        %dma_wait3A_42 = arith.constant 0 : i32
        %dma_wait3A_43 = arith.constant 0 : i32
        %dma_wait3A_44 = tpu.memref_slice %arg5[%dma_wait3A_42, %dma_wait3A_43] : memref<624x128xf32, #tpu.memory_space<hbm>> -> memref<16x128xf32, #tpu.memory_space<hbm>>
        tpu.wait_dma2 semaphore(%run_scoped3A : memref<!tpu.dma_semaphore, #tpu.memory_space<semaphore_mem>>) src(%dma_wait3A_44 : memref<16x128xf32, #tpu.memory_space<hbm>>) dst(%dma_wait3A_41 : memref<16x128xf32, #tpu.memory_space<vmem_shared>>)
        tpu.yield
      }) : () -> ()
    } else {
    }
    %barrier3A = arith.constant 0 : index
    tpu.barrier barrier_id(%barrier3A)
    %mul3A_3 = arith.constant 128 : i32
    %mul3A_4 = arith.muli %arg0, %mul3A_3 : i32
    %scan3A = arith.constant 0 : i32
    %scan3A_5 = arith.constant 2 : i32
    %scan3A_6 = arith.addi %scan3A, %scan3A_5 : i32
    %scan3A_7 = arith.constant 1 : i32
    scf.for %scan3A_35 = %scan3A to %scan3A_6 step %scan3A_7  : i32 {
      %mul3A_36 = arith.constant 1 : i32
      %mul3A_37 = arith.muli %scan3A_35, %mul3A_36 : i32
      %add3A = arith.constant 0 : i32
      %add3A_38 = arith.addi %add3A, %mul3A_37 : i32
      %mul3A_39 = arith.constant 40 : i32
      %mul3A_40 = arith.muli %add3A_38, %mul3A_39 : i32
      "tpu.region"() ({
        %run_scoped3A = tpu.sem_alloc : memref<!tpu.dma_semaphore, #tpu.memory_space<semaphore_mem>>
        %dma_start3A_56 = arith.constant 0 : i32
        %dma_start3A_57 = arith.constant 0 : i32
        %dma_start3A_58 = tpu.memref_slice %arg4[%arg1, %dma_start3A_56, %dma_start3A_57] : memref<16x80x125xi32, #tpu.memory_space<hbm>> -> memref<1x80x125xi32, #tpu.memory_space<hbm>>
        %dma_start3A_59 = tpu.memref_squeeze %dma_start3A_58 : memref<1x80x125xi32, #tpu.memory_space<hbm>> -> memref<80x125xi32, #tpu.memory_space<hbm>>
        %dma_start3A_60 = arith.constant 0 : i32
        %dma_start3A_61 = tpu.memref_slice %dma_start3A_59[%mul3A_40, %dma_start3A_60] : memref<80x125xi32, #tpu.memory_space<hbm>> -> memref<40x125xi32, #tpu.memory_space<hbm>>
        %dma_start3A_62 = arith.constant 0 : i32
        %dma_start3A_63 = arith.constant 0 : i32
        %dma_start3A_64 = tpu.memref_slice %arg4[%arg1, %dma_start3A_62, %dma_start3A_63] : memref<16x80x125xi32, #tpu.memory_space<hbm>> -> memref<1x80x125xi32, #tpu.memory_space<hbm>>
        %dma_start3A_65 = tpu.memref_squeeze %dma_start3A_64 : memref<1x80x125xi32, #tpu.memory_space<hbm>> -> memref<80x125xi32, #tpu.memory_space<hbm>>
        %dma_start3A_66 = arith.constant 0 : i32
        %dma_start3A_67 = tpu.memref_slice %dma_start3A_65[%mul3A_40, %dma_start3A_66] : memref<80x125xi32, #tpu.memory_space<hbm>> -> memref<40x125xi32, #tpu.memory_space<hbm>>
        tpu.enqueue_dma source(%dma_start3A_67 : memref<40x125xi32, #tpu.memory_space<hbm>>) target(%arg9 : memref<40x125xi32, #tpu.memory_space<vmem>>) target_semaphore(%run_scoped3A : memref<!tpu.dma_semaphore, #tpu.memory_space<semaphore_mem>>)
        %dma_wait3A = arith.constant 0 : i32
        %dma_wait3A_68 = arith.constant 0 : i32
        %dma_wait3A_69 = tpu.memref_slice %arg4[%arg1, %dma_wait3A, %dma_wait3A_68] : memref<16x80x125xi32, #tpu.memory_space<hbm>> -> memref<1x80x125xi32, #tpu.memory_space<hbm>>
        %dma_wait3A_70 = tpu.memref_squeeze %dma_wait3A_69 : memref<1x80x125xi32, #tpu.memory_space<hbm>> -> memref<80x125xi32, #tpu.memory_space<hbm>>
        %dma_wait3A_71 = arith.constant 0 : i32
        %dma_wait3A_72 = tpu.memref_slice %dma_wait3A_70[%mul3A_40, %dma_wait3A_71] : memref<80x125xi32, #tpu.memory_space<hbm>> -> memref<40x125xi32, #tpu.memory_space<hbm>>
        %dma_wait3A_73 = arith.constant 0 : i32
        %dma_wait3A_74 = arith.constant 0 : i32
        %dma_wait3A_75 = tpu.memref_slice %arg4[%arg1, %dma_wait3A_73, %dma_wait3A_74] : memref<16x80x125xi32, #tpu.memory_space<hbm>> -> memref<1x80x125xi32, #tpu.memory_space<hbm>>
        %dma_wait3A_76 = tpu.memref_squeeze %dma_wait3A_75 : memref<1x80x125xi32, #tpu.memory_space<hbm>> -> memref<80x125xi32, #tpu.memory_space<hbm>>
        %dma_wait3A_77 = arith.constant 0 : i32
        %dma_wait3A_78 = tpu.memref_slice %dma_wait3A_76[%mul3A_40, %dma_wait3A_77] : memref<80x125xi32, #tpu.memory_space<hbm>> -> memref<40x125xi32, #tpu.memory_space<hbm>>
        tpu.wait_dma2 semaphore(%run_scoped3A : memref<!tpu.dma_semaphore, #tpu.memory_space<semaphore_mem>>) src(%dma_wait3A_78 : memref<40x125xi32, #tpu.memory_space<hbm>>) dst(%arg9 : memref<40x125xi32, #tpu.memory_space<vmem>>)
        tpu.yield
      }) : () -> ()
      %mul3A_41 = arith.constant 40 : i32
      %mul3A_42 = arith.muli %add3A_38, %mul3A_41 : i32
      "tpu.region"() ({
        %run_scoped3A = tpu.sem_alloc : memref<!tpu.dma_semaphore, #tpu.memory_space<semaphore_mem>>
        %dma_start3A_56 = arith.constant 0 : i32
        %dma_start3A_57 = arith.constant 0 : i32
        %dma_start3A_58 = tpu.memref_slice %arg3[%arg1, %dma_start3A_56, %dma_start3A_57] : memref<16x80x125xi32, #tpu.memory_space<hbm>> -> memref<1x80x125xi32, #tpu.memory_space<hbm>>
        %dma_start3A_59 = tpu.memref_squeeze %dma_start3A_58 : memref<1x80x125xi32, #tpu.memory_space<hbm>> -> memref<80x125xi32, #tpu.memory_space<hbm>>
        %dma_start3A_60 = arith.constant 0 : i32
        %dma_start3A_61 = tpu.memref_slice %dma_start3A_59[%mul3A_42, %dma_start3A_60] : memref<80x125xi32, #tpu.memory_space<hbm>> -> memref<40x125xi32, #tpu.memory_space<hbm>>
        %dma_start3A_62 = arith.constant 0 : i32
        %dma_start3A_63 = arith.constant 0 : i32
        %dma_start3A_64 = tpu.memref_slice %arg3[%arg1, %dma_start3A_62, %dma_start3A_63] : memref<16x80x125xi32, #tpu.memory_space<hbm>> -> memref<1x80x125xi32, #tpu.memory_space<hbm>>
        %dma_start3A_65 = tpu.memref_squeeze %dma_start3A_64 : memref<1x80x125xi32, #tpu.memory_space<hbm>> -> memref<80x125xi32, #tpu.memory_space<hbm>>
        %dma_start3A_66 = arith.constant 0 : i32
        %dma_start3A_67 = tpu.memref_slice %dma_start3A_65[%mul3A_42, %dma_start3A_66] : memref<80x125xi32, #tpu.memory_space<hbm>> -> memref<40x125xi32, #tpu.memory_space<hbm>>
        tpu.enqueue_dma source(%dma_start3A_67 : memref<40x125xi32, #tpu.memory_space<hbm>>) target(%arg10 : memref<40x125xi32, #tpu.memory_space<vmem>>) target_semaphore(%run_scoped3A : memref<!tpu.dma_semaphore, #tpu.memory_space<semaphore_mem>>)
        %dma_wait3A = arith.constant 0 : i32
        %dma_wait3A_68 = arith.constant 0 : i32
        %dma_wait3A_69 = tpu.memref_slice %arg3[%arg1, %dma_wait3A, %dma_wait3A_68] : memref<16x80x125xi32, #tpu.memory_space<hbm>> -> memref<1x80x125xi32, #tpu.memory_space<hbm>>
        %dma_wait3A_70 = tpu.memref_squeeze %dma_wait3A_69 : memref<1x80x125xi32, #tpu.memory_space<hbm>> -> memref<80x125xi32, #tpu.memory_space<hbm>>
        %dma_wait3A_71 = arith.constant 0 : i32
        %dma_wait3A_72 = tpu.memref_slice %dma_wait3A_70[%mul3A_42, %dma_wait3A_71] : memref<80x125xi32, #tpu.memory_space<hbm>> -> memref<40x125xi32, #tpu.memory_space<hbm>>
        %dma_wait3A_73 = arith.constant 0 : i32
        %dma_wait3A_74 = arith.constant 0 : i32
        %dma_wait3A_75 = tpu.memref_slice %arg3[%arg1, %dma_wait3A_73, %dma_wait3A_74] : memref<16x80x125xi32, #tpu.memory_space<hbm>> -> memref<1x80x125xi32, #tpu.memory_space<hbm>>
        %dma_wait3A_76 = tpu.memref_squeeze %dma_wait3A_75 : memref<1x80x125xi32, #tpu.memory_space<hbm>> -> memref<80x125xi32, #tpu.memory_space<hbm>>
        %dma_wait3A_77 = arith.constant 0 : i32
        %dma_wait3A_78 = tpu.memref_slice %dma_wait3A_76[%mul3A_42, %dma_wait3A_77] : memref<80x125xi32, #tpu.memory_space<hbm>> -> memref<40x125xi32, #tpu.memory_space<hbm>>
        tpu.wait_dma2 semaphore(%run_scoped3A : memref<!tpu.dma_semaphore, #tpu.memory_space<semaphore_mem>>) src(%dma_wait3A_78 : memref<40x125xi32, #tpu.memory_space<hbm>>) dst(%arg10 : memref<40x125xi32, #tpu.memory_space<vmem>>)
        tpu.yield
      }) : () -> ()
      %dma_start3A = arith.constant 0 : i32
      %dma_start3A_43 = arith.constant 0 : i32
      %dma_start3A_44 = tpu.memref_slice %arg9[%dma_start3A, %dma_start3A_43] : memref<40x125xi32, #tpu.memory_space<vmem>> -> memref<1x125xi32, #tpu.memory_space<vmem>>
      %dma_start3A_45 = tpu.memref_squeeze %dma_start3A_44 : memref<1x125xi32, #tpu.memory_space<vmem>> -> memref<125xi32, #tpu.memory_space<vmem>>
      %dma_start3A_46 = arith.constant 0 : i32
      %dma_start3A_47 = tpu.memref_slice %arg2[%dma_start3A_46, %mul3A_4] : memref<10000x256xf32, #tpu.memory_space<hbm>> -> memref<10000x128xf32, #tpu.memory_space<hbm>>
      %dma_start3A_48 = arith.constant 0 : i32
      %dma_start3A_49 = arith.constant 0 : i32
      %dma_start3A_50 = tpu.memref_slice %dma_start3A_47[%dma_start3A_48, %dma_start3A_49] : memref<10000x128xf32, #tpu.memory_space<hbm>> -> memref<10000x128xf32, #tpu.memory_space<hbm>>
      tpu.enqueue_indirect_dma source(%dma_start3A_50 : memref<10000x128xf32, #tpu.memory_space<hbm>>) target(%arg11 : memref<125x128xf32, #tpu.memory_space<vmem>>) offsets(%dma_start3A_45 : memref<125xi32, #tpu.memory_space<vmem>>) semaphore(%arg14 : memref<!tpu.dma_semaphore, #tpu.memory_space<semaphore_mem>>)
      %scan3A_51 = arith.constant 0 : i32
      %scan3A_52 = arith.constant 20 : i32
      %scan3A_53 = arith.addi %scan3A_51, %scan3A_52 : i32
      %scan3A_54 = arith.constant 1 : i32
      scf.for %scan3A_56 = %scan3A_51 to %scan3A_53 step %scan3A_54  : i32 {
        %mul3A_57 = arith.constant 1 : i32
        %mul3A_58 = arith.muli %scan3A_56, %mul3A_57 : i32
        %add3A_59 = arith.constant 0 : i32
        %add3A_60 = arith.addi %add3A_59, %mul3A_58 : i32
        %mul3A_61 = arith.constant 2 : i32
        %mul3A_62 = arith.muli %mul3A_61, %add3A_60 : i32
        %add3A_63 = arith.constant 1 : i32
        %add3A_64 = arith.addi %mul3A_62, %add3A_63 : i32
        %dma_start3A_65 = arith.constant 0 : i32
        %dma_start3A_66 = tpu.memref_slice %arg9[%add3A_64, %dma_start3A_65] : memref<40x125xi32, #tpu.memory_space<vmem>> -> memref<1x125xi32, #tpu.memory_space<vmem>>
        %dma_start3A_67 = tpu.memref_squeeze %dma_start3A_66 : memref<1x125xi32, #tpu.memory_space<vmem>> -> memref<125xi32, #tpu.memory_space<vmem>>
        %dma_start3A_68 = arith.constant 0 : i32
        %dma_start3A_69 = tpu.memref_slice %arg2[%dma_start3A_68, %mul3A_4] : memref<10000x256xf32, #tpu.memory_space<hbm>> -> memref<10000x128xf32, #tpu.memory_space<hbm>>
        %dma_start3A_70 = arith.constant 0 : i32
        %dma_start3A_71 = arith.constant 0 : i32
        %dma_start3A_72 = tpu.memref_slice %dma_start3A_69[%dma_start3A_70, %dma_start3A_71] : memref<10000x128xf32, #tpu.memory_space<hbm>> -> memref<10000x128xf32, #tpu.memory_space<hbm>>
        tpu.enqueue_indirect_dma source(%dma_start3A_72 : memref<10000x128xf32, #tpu.memory_space<hbm>>) target(%arg12 : memref<125x128xf32, #tpu.memory_space<vmem>>) offsets(%dma_start3A_67 : memref<125xi32, #tpu.memory_space<vmem>>) semaphore(%arg15 : memref<!tpu.dma_semaphore, #tpu.memory_space<semaphore_mem>>)
        %dma_wait3A = arith.constant 0 : i32
        %dma_wait3A_73 = tpu.memref_slice %arg9[%mul3A_62, %dma_wait3A] : memref<40x125xi32, #tpu.memory_space<vmem>> -> memref<1x125xi32, #tpu.memory_space<vmem>>
        %dma_wait3A_74 = tpu.memref_squeeze %dma_wait3A_73 : memref<1x125xi32, #tpu.memory_space<vmem>> -> memref<125xi32, #tpu.memory_space<vmem>>
        %dma_wait3A_75 = arith.constant 0 : i32
        %dma_wait3A_76 = tpu.memref_slice %arg2[%dma_wait3A_75, %mul3A_4] : memref<10000x256xf32, #tpu.memory_space<hbm>> -> memref<10000x128xf32, #tpu.memory_space<hbm>>
        %dma_wait3A_77 = arith.constant 0 : i32
        %dma_wait3A_78 = arith.constant 0 : i32
        %dma_wait3A_79 = tpu.memref_slice %dma_wait3A_76[%dma_wait3A_77, %dma_wait3A_78] : memref<10000x128xf32, #tpu.memory_space<hbm>> -> memref<10000x128xf32, #tpu.memory_space<hbm>>
        tpu.wait_indirect_dma semaphore(%arg14 : memref<!tpu.dma_semaphore, #tpu.memory_space<semaphore_mem>>) src(%dma_wait3A_79 : memref<10000x128xf32, #tpu.memory_space<hbm>>) dst(%arg11 : memref<125x128xf32, #tpu.memory_space<vmem>>)
        "tpu.region"() ({
          %run_scoped3A = tpu.sem_alloc : memref<!tpu.dma_semaphore, #tpu.memory_space<semaphore_mem>>
          %dma_start3A_96 = arith.constant 0 : i32
          %dma_start3A_97 = tpu.memref_slice %arg10[%mul3A_62, %dma_start3A_96] : memref<40x125xi32, #tpu.memory_space<vmem>> -> memref<1x125xi32, #tpu.memory_space<vmem>>
          %dma_start3A_98 = tpu.memref_squeeze %dma_start3A_97 : memref<1x125xi32, #tpu.memory_space<vmem>> -> memref<125xi32, #tpu.memory_space<vmem>>
          %dma_start3A_99 = arith.constant 0 : i32
          %dma_start3A_100 = arith.constant 0 : i32
          %dma_start3A_101 = tpu.memref_slice %arg13[%dma_start3A_99, %dma_start3A_100] : memref<10000x128xf32, #tpu.memory_space<vmem_shared>> -> memref<10000x128xf32, #tpu.memory_space<vmem_shared>>
          tpu.enqueue_indirect_dma source(%arg11 : memref<125x128xf32, #tpu.memory_space<vmem>>) target(%dma_start3A_101 : memref<10000x128xf32, #tpu.memory_space<vmem_shared>>) offsets(%dma_start3A_98 : memref<125xi32, #tpu.memory_space<vmem>>) semaphore(%run_scoped3A : memref<!tpu.dma_semaphore, #tpu.memory_space<semaphore_mem>>) {add = true}
          %dma_wait3A_102 = arith.constant 0 : i32
          %dma_wait3A_103 = tpu.memref_slice %arg10[%mul3A_62, %dma_wait3A_102] : memref<40x125xi32, #tpu.memory_space<vmem>> -> memref<1x125xi32, #tpu.memory_space<vmem>>
          %dma_wait3A_104 = tpu.memref_squeeze %dma_wait3A_103 : memref<1x125xi32, #tpu.memory_space<vmem>> -> memref<125xi32, #tpu.memory_space<vmem>>
          %dma_wait3A_105 = arith.constant 0 : i32
          %dma_wait3A_106 = arith.constant 0 : i32
          %dma_wait3A_107 = tpu.memref_slice %arg13[%dma_wait3A_105, %dma_wait3A_106] : memref<10000x128xf32, #tpu.memory_space<vmem_shared>> -> memref<10000x128xf32, #tpu.memory_space<vmem_shared>>
          tpu.wait_indirect_dma semaphore(%run_scoped3A : memref<!tpu.dma_semaphore, #tpu.memory_space<semaphore_mem>>) src(%arg11 : memref<125x128xf32, #tpu.memory_space<vmem>>) dst(%dma_wait3A_107 : memref<10000x128xf32, #tpu.memory_space<vmem_shared>>)
          tpu.yield
        }) : () -> ()
        %add3A_80 = arith.constant 2 : i32
        %add3A_81 = arith.addi %mul3A_62, %add3A_80 : i32
        %lt3A = arith.constant 40 : i32
        %lt3A_82 = arith.cmpi slt, %add3A_81, %lt3A : i32
        %convert_element_type3A_83 = arith.extui %lt3A_82 : i1 to i32
        %cond3A_84 = arith.constant 0 : i32
        %cond3A_85 = arith.cmpi ne, %convert_element_type3A_83, %cond3A_84 : i32
        scf.if %cond3A_85 {
          %add3A_96 = arith.constant 2 : i32
          %add3A_97 = arith.addi %mul3A_62, %add3A_96 : i32
          %dma_start3A_98 = arith.constant 0 : i32
          %dma_start3A_99 = tpu.memref_slice %arg9[%add3A_97, %dma_start3A_98] : memref<40x125xi32, #tpu.memory_space<vmem>> -> memref<1x125xi32, #tpu.memory_space<vmem>>
          %dma_start3A_100 = tpu.memref_squeeze %dma_start3A_99 : memref<1x125xi32, #tpu.memory_space<vmem>> -> memref<125xi32, #tpu.memory_space<vmem>>
          %dma_start3A_101 = arith.constant 0 : i32
          %dma_start3A_102 = tpu.memref_slice %arg2[%dma_start3A_101, %mul3A_4] : memref<10000x256xf32, #tpu.memory_space<hbm>> -> memref<10000x128xf32, #tpu.memory_space<hbm>>
          %dma_start3A_103 = arith.constant 0 : i32
          %dma_start3A_104 = arith.constant 0 : i32
          %dma_start3A_105 = tpu.memref_slice %dma_start3A_102[%dma_start3A_103, %dma_start3A_104] : memref<10000x128xf32, #tpu.memory_space<hbm>> -> memref<10000x128xf32, #tpu.memory_space<hbm>>
          tpu.enqueue_indirect_dma source(%dma_start3A_105 : memref<10000x128xf32, #tpu.memory_space<hbm>>) target(%arg11 : memref<125x128xf32, #tpu.memory_space<vmem>>) offsets(%dma_start3A_100 : memref<125xi32, #tpu.memory_space<vmem>>) semaphore(%arg14 : memref<!tpu.dma_semaphore, #tpu.memory_space<semaphore_mem>>)
        } else {
        }
        %dma_wait3A_86 = arith.constant 0 : i32
        %dma_wait3A_87 = tpu.memref_slice %arg9[%add3A_64, %dma_wait3A_86] : memref<40x125xi32, #tpu.memory_space<vmem>> -> memref<1x125xi32, #tpu.memory_space<vmem>>
        %dma_wait3A_88 = tpu.memref_squeeze %dma_wait3A_87 : memref<1x125xi32, #tpu.memory_space<vmem>> -> memref<125xi32, #tpu.memory_space<vmem>>
        %dma_wait3A_89 = arith.constant 0 : i32
        %dma_wait3A_90 = tpu.memref_slice %arg2[%dma_wait3A_89, %mul3A_4] : memref<10000x256xf32, #tpu.memory_space<hbm>> -> memref<10000x128xf32, #tpu.memory_space<hbm>>
        %dma_wait3A_91 = arith.constant 0 : i32
        %dma_wait3A_92 = arith.constant 0 : i32
        %dma_wait3A_93 = tpu.memref_slice %dma_wait3A_90[%dma_wait3A_91, %dma_wait3A_92] : memref<10000x128xf32, #tpu.memory_space<hbm>> -> memref<10000x128xf32, #tpu.memory_space<hbm>>
        tpu.wait_indirect_dma semaphore(%arg15 : memref<!tpu.dma_semaphore, #tpu.memory_space<semaphore_mem>>) src(%dma_wait3A_93 : memref<10000x128xf32, #tpu.memory_space<hbm>>) dst(%arg12 : memref<125x128xf32, #tpu.memory_space<vmem>>)
        %add3A_94 = arith.constant 1 : i32
        %add3A_95 = arith.addi %mul3A_62, %add3A_94 : i32
        "tpu.region"() ({
          %run_scoped3A = tpu.sem_alloc : memref<!tpu.dma_semaphore, #tpu.memory_space<semaphore_mem>>
          %dma_start3A_96 = arith.constant 0 : i32
          %dma_start3A_97 = tpu.memref_slice %arg10[%add3A_95, %dma_start3A_96] : memref<40x125xi32, #tpu.memory_space<vmem>> -> memref<1x125xi32, #tpu.memory_space<vmem>>
          %dma_start3A_98 = tpu.memref_squeeze %dma_start3A_97 : memref<1x125xi32, #tpu.memory_space<vmem>> -> memref<125xi32, #tpu.memory_space<vmem>>
          %dma_start3A_99 = arith.constant 0 : i32
          %dma_start3A_100 = arith.constant 0 : i32
          %dma_start3A_101 = tpu.memref_slice %arg13[%dma_start3A_99, %dma_start3A_100] : memref<10000x128xf32, #tpu.memory_space<vmem_shared>> -> memref<10000x128xf32, #tpu.memory_space<vmem_shared>>
          tpu.enqueue_indirect_dma source(%arg12 : memref<125x128xf32, #tpu.memory_space<vmem>>) target(%dma_start3A_101 : memref<10000x128xf32, #tpu.memory_space<vmem_shared>>) offsets(%dma_start3A_98 : memref<125xi32, #tpu.memory_space<vmem>>) semaphore(%run_scoped3A : memref<!tpu.dma_semaphore, #tpu.memory_space<semaphore_mem>>) {add = true}
          %dma_wait3A_102 = arith.constant 0 : i32
          %dma_wait3A_103 = tpu.memref_slice %arg10[%add3A_95, %dma_wait3A_102] : memref<40x125xi32, #tpu.memory_space<vmem>> -> memref<1x125xi32, #tpu.memory_space<vmem>>
          %dma_wait3A_104 = tpu.memref_squeeze %dma_wait3A_103 : memref<1x125xi32, #tpu.memory_space<vmem>> -> memref<125xi32, #tpu.memory_space<vmem>>
          %dma_wait3A_105 = arith.constant 0 : i32
          %dma_wait3A_106 = arith.constant 0 : i32
          %dma_wait3A_107 = tpu.memref_slice %arg13[%dma_wait3A_105, %dma_wait3A_106] : memref<10000x128xf32, #tpu.memory_space<vmem_shared>> -> memref<10000x128xf32, #tpu.memory_space<vmem_shared>>
          tpu.wait_indirect_dma semaphore(%run_scoped3A : memref<!tpu.dma_semaphore, #tpu.memory_space<semaphore_mem>>) src(%arg12 : memref<125x128xf32, #tpu.memory_space<vmem>>) dst(%dma_wait3A_107 : memref<10000x128xf32, #tpu.memory_space<vmem_shared>>)
          tpu.yield
        }) : () -> ()
      }
      %scan3A_55 = arith.constant 20 : i32
    }
    %scan3A_8 = arith.constant 2 : i32
    %barrier3A_9 = arith.constant 0 : index
    tpu.barrier barrier_id(%barrier3A_9)
    "tpu.region"() ({
      %run_scoped3A = tpu.sem_alloc : memref<!tpu.dma_semaphore, #tpu.memory_space<semaphore_mem>>
      %dma_start3A = arith.constant 0 : i32
      %dma_start3A_35 = arith.constant 0 : i32
      %dma_start3A_36 = tpu.memref_slice %arg7[%arg0, %dma_start3A, %dma_start3A_35] : memref<2x10000x128xf32, #tpu.memory_space<hbm>> -> memref<1x10000x128xf32, #tpu.memory_space<hbm>>
      %dma_start3A_37 = tpu.memref_squeeze %dma_start3A_36 : memref<1x10000x128xf32, #tpu.memory_space<hbm>> -> memref<10000x128xf32, #tpu.memory_space<hbm>>
      %dma_start3A_38 = arith.constant 0 : i32
      %dma_start3A_39 = tpu.memref_slice %dma_start3A_37[%mul3A_0, %dma_start3A_38] : memref<10000x128xf32, #tpu.memory_space<hbm>> -> memref<624x128xf32, #tpu.memory_space<hbm>>
      %dma_start3A_40 = arith.constant 0 : i32
      %dma_start3A_41 = tpu.memref_slice %arg13[%mul3A_0, %dma_start3A_40] : memref<10000x128xf32, #tpu.memory_space<vmem_shared>> -> memref<624x128xf32, #tpu.memory_space<vmem_shared>>
      tpu.enqueue_dma source(%dma_start3A_41 : memref<624x128xf32, #tpu.memory_space<vmem_shared>>) target(%dma_start3A_39 : memref<624x128xf32, #tpu.memory_space<hbm>>) target_semaphore(%run_scoped3A : memref<!tpu.dma_semaphore, #tpu.memory_space<semaphore_mem>>)
      %dma_wait3A = arith.constant 0 : i32
      %dma_wait3A_42 = arith.constant 0 : i32
      %dma_wait3A_43 = tpu.memref_slice %arg7[%arg0, %dma_wait3A, %dma_wait3A_42] : memref<2x10000x128xf32, #tpu.memory_space<hbm>> -> memref<1x10000x128xf32, #tpu.memory_space<hbm>>
      %dma_wait3A_44 = tpu.memref_squeeze %dma_wait3A_43 : memref<1x10000x128xf32, #tpu.memory_space<hbm>> -> memref<10000x128xf32, #tpu.memory_space<hbm>>
      %dma_wait3A_45 = arith.constant 0 : i32
      %dma_wait3A_46 = tpu.memref_slice %dma_wait3A_44[%mul3A_0, %dma_wait3A_45] : memref<10000x128xf32, #tpu.memory_space<hbm>> -> memref<624x128xf32, #tpu.memory_space<hbm>>
      %dma_wait3A_47 = arith.constant 0 : i32
      %dma_wait3A_48 = tpu.memref_slice %arg13[%mul3A_0, %dma_wait3A_47] : memref<10000x128xf32, #tpu.memory_space<vmem_shared>> -> memref<624x128xf32, #tpu.memory_space<vmem_shared>>
      tpu.wait_dma2 semaphore(%run_scoped3A : memref<!tpu.dma_semaphore, #tpu.memory_space<semaphore_mem>>) src(%dma_wait3A_48 : memref<624x128xf32, #tpu.memory_space<vmem_shared>>) dst(%dma_wait3A_46 : memref<624x128xf32, #tpu.memory_space<hbm>>)
      tpu.yield
    }) : () -> ()
    %eq3A_10 = arith.constant 15 : i32
    %eq3A_11 = arith.cmpi eq, %arg1, %eq3A_10 : i32
    %convert_element_type3A_12 = arith.extui %eq3A_11 : i1 to i32
    %cond3A_13 = arith.constant 0 : i32
    %cond3A_14 = arith.cmpi ne, %convert_element_type3A_12, %cond3A_13 : i32
    scf.if %cond3A_14 {
      "tpu.region"() ({
        %run_scoped3A = tpu.sem_alloc : memref<!tpu.dma_semaphore, #tpu.memory_space<semaphore_mem>>
        %dma_start3A = arith.constant 0 : i32
        %dma_start3A_35 = arith.constant 0 : i32
        %dma_start3A_36 = tpu.memref_slice %arg7[%arg0, %dma_start3A, %dma_start3A_35] : memref<2x10000x128xf32, #tpu.memory_space<hbm>> -> memref<1x10000x128xf32, #tpu.memory_space<hbm>>
        %dma_start3A_37 = tpu.memref_squeeze %dma_start3A_36 : memref<1x10000x128xf32, #tpu.memory_space<hbm>> -> memref<10000x128xf32, #tpu.memory_space<hbm>>
        %dma_start3A_38 = arith.constant 9984 : i32
        %dma_start3A_39 = arith.constant 0 : i32
        %dma_start3A_40 = tpu.memref_slice %dma_start3A_37[%dma_start3A_38, %dma_start3A_39] : memref<10000x128xf32, #tpu.memory_space<hbm>> -> memref<16x128xf32, #tpu.memory_space<hbm>>
        %dma_start3A_41 = arith.constant 9984 : i32
        %dma_start3A_42 = arith.constant 0 : i32
        %dma_start3A_43 = tpu.memref_slice %arg13[%dma_start3A_41, %dma_start3A_42] : memref<10000x128xf32, #tpu.memory_space<vmem_shared>> -> memref<16x128xf32, #tpu.memory_space<vmem_shared>>
        tpu.enqueue_dma source(%dma_start3A_43 : memref<16x128xf32, #tpu.memory_space<vmem_shared>>) target(%dma_start3A_40 : memref<16x128xf32, #tpu.memory_space<hbm>>) target_semaphore(%run_scoped3A : memref<!tpu.dma_semaphore, #tpu.memory_space<semaphore_mem>>)
        %dma_wait3A = arith.constant 0 : i32
        %dma_wait3A_44 = arith.constant 0 : i32
        %dma_wait3A_45 = tpu.memref_slice %arg7[%arg0, %dma_wait3A, %dma_wait3A_44] : memref<2x10000x128xf32, #tpu.memory_space<hbm>> -> memref<1x10000x128xf32, #tpu.memory_space<hbm>>
        %dma_wait3A_46 = tpu.memref_squeeze %dma_wait3A_45 : memref<1x10000x128xf32, #tpu.memory_space<hbm>> -> memref<10000x128xf32, #tpu.memory_space<hbm>>
        %dma_wait3A_47 = arith.constant 9984 : i32
        %dma_wait3A_48 = arith.constant 0 : i32
        %dma_wait3A_49 = tpu.memref_slice %dma_wait3A_46[%dma_wait3A_47, %dma_wait3A_48] : memref<10000x128xf32, #tpu.memory_space<hbm>> -> memref<16x128xf32, #tpu.memory_space<hbm>>
        %dma_wait3A_50 = arith.constant 9984 : i32
        %dma_wait3A_51 = arith.constant 0 : i32
        %dma_wait3A_52 = tpu.memref_slice %arg13[%dma_wait3A_50, %dma_wait3A_51] : memref<10000x128xf32, #tpu.memory_space<vmem_shared>> -> memref<16x128xf32, #tpu.memory_space<vmem_shared>>
        tpu.wait_dma2 semaphore(%run_scoped3A : memref<!tpu.dma_semaphore, #tpu.memory_space<semaphore_mem>>) src(%dma_wait3A_52 : memref<16x128xf32, #tpu.memory_space<vmem_shared>>) dst(%dma_wait3A_49 : memref<16x128xf32, #tpu.memory_space<hbm>>)
        tpu.yield
      }) : () -> ()
    } else {
    }
    %barrier3A_15 = arith.constant 0 : index
    tpu.barrier barrier_id(%barrier3A_15)
    "tpu.region"() ({
      %run_scoped3A = tpu.sem_alloc : memref<!tpu.dma_semaphore, #tpu.memory_space<semaphore_mem>>
      %dma_start3A = arith.constant 0 : i32
      %dma_start3A_35 = tpu.memref_slice %arg13[%mul3A_0, %dma_start3A] : memref<10000x128xf32, #tpu.memory_space<vmem_shared>> -> memref<624x128xf32, #tpu.memory_space<vmem_shared>>
      tpu.enqueue_dma source(%arg5 : memref<624x128xf32, #tpu.memory_space<hbm>>) target(%dma_start3A_35 : memref<624x128xf32, #tpu.memory_space<vmem_shared>>) target_semaphore(%run_scoped3A : memref<!tpu.dma_semaphore, #tpu.memory_space<semaphore_mem>>)
      %dma_wait3A = arith.constant 0 : i32
      %dma_wait3A_36 = tpu.memref_slice %arg13[%mul3A_0, %dma_wait3A] : memref<10000x128xf32, #tpu.memory_space<vmem_shared>> -> memref<624x128xf32, #tpu.memory_space<vmem_shared>>
      tpu.wait_dma2 semaphore(%run_scoped3A : memref<!tpu.dma_semaphore, #tpu.memory_space<semaphore_mem>>) src(%arg5 : memref<624x128xf32, #tpu.memory_space<hbm>>) dst(%dma_wait3A_36 : memref<624x128xf32, #tpu.memory_space<vmem_shared>>)
      tpu.yield
    }) : () -> ()
    %eq3A_16 = arith.constant 15 : i32
    %eq3A_17 = arith.cmpi eq, %arg1, %eq3A_16 : i32
    %convert_element_type3A_18 = arith.extui %eq3A_17 : i1 to i32
    %cond3A_19 = arith.constant 0 : i32
    %cond3A_20 = arith.cmpi ne, %convert_element_type3A_18, %cond3A_19 : i32
    scf.if %cond3A_20 {
      "tpu.region"() ({
        %run_scoped3A = tpu.sem_alloc : memref<!tpu.dma_semaphore, #tpu.memory_space<semaphore_mem>>
        %dma_start3A = arith.constant 9984 : i32
        %dma_start3A_35 = arith.constant 0 : i32
        %dma_start3A_36 = tpu.memref_slice %arg13[%dma_start3A, %dma_start3A_35] : memref<10000x128xf32, #tpu.memory_space<vmem_shared>> -> memref<16x128xf32, #tpu.memory_space<vmem_shared>>
        %dma_start3A_37 = arith.constant 0 : i32
        %dma_start3A_38 = arith.constant 0 : i32
        %dma_start3A_39 = tpu.memref_slice %arg5[%dma_start3A_37, %dma_start3A_38] : memref<624x128xf32, #tpu.memory_space<hbm>> -> memref<16x128xf32, #tpu.memory_space<hbm>>
        tpu.enqueue_dma source(%dma_start3A_39 : memref<16x128xf32, #tpu.memory_space<hbm>>) target(%dma_start3A_36 : memref<16x128xf32, #tpu.memory_space<vmem_shared>>) target_semaphore(%run_scoped3A : memref<!tpu.dma_semaphore, #tpu.memory_space<semaphore_mem>>)
        %dma_wait3A = arith.constant 9984 : i32
        %dma_wait3A_40 = arith.constant 0 : i32
        %dma_wait3A_41 = tpu.memref_slice %arg13[%dma_wait3A, %dma_wait3A_40] : memref<10000x128xf32, #tpu.memory_space<vmem_shared>> -> memref<16x128xf32, #tpu.memory_space<vmem_shared>>
        %dma_wait3A_42 = arith.constant 0 : i32
        %dma_wait3A_43 = arith.constant 0 : i32
        %dma_wait3A_44 = tpu.memref_slice %arg5[%dma_wait3A_42, %dma_wait3A_43] : memref<624x128xf32, #tpu.memory_space<hbm>> -> memref<16x128xf32, #tpu.memory_space<hbm>>
        tpu.wait_dma2 semaphore(%run_scoped3A : memref<!tpu.dma_semaphore, #tpu.memory_space<semaphore_mem>>) src(%dma_wait3A_44 : memref<16x128xf32, #tpu.memory_space<hbm>>) dst(%dma_wait3A_41 : memref<16x128xf32, #tpu.memory_space<vmem_shared>>)
        tpu.yield
      }) : () -> ()
    } else {
    }
    "tpu.region"() ({
      %run_scoped3A = tpu.sem_alloc : memref<!tpu.dma_semaphore, #tpu.memory_space<semaphore_mem>>
      tpu.enqueue_dma source(%arg6 : memref<125x128xf32, #tpu.memory_space<hbm>>) target(%arg11 : memref<125x128xf32, #tpu.memory_space<vmem>>) target_semaphore(%run_scoped3A : memref<!tpu.dma_semaphore, #tpu.memory_space<semaphore_mem>>)
      tpu.wait_dma2 semaphore(%run_scoped3A : memref<!tpu.dma_semaphore, #tpu.memory_space<semaphore_mem>>) src(%arg6 : memref<125x128xf32, #tpu.memory_space<hbm>>) dst(%arg11 : memref<125x128xf32, #tpu.memory_space<vmem>>)
      tpu.yield
    }) : () -> ()
    %mul3A_21 = arith.constant 40 : i32
    %mul3A_22 = arith.muli %arg0, %mul3A_21 : i32
    "tpu.region"() ({
      %run_scoped3A = tpu.sem_alloc : memref<!tpu.dma_semaphore, #tpu.memory_space<semaphore_mem>>
      %dma_start3A = arith.constant 0 : i32
      %dma_start3A_35 = arith.constant 0 : i32
      %dma_start3A_36 = tpu.memref_slice %arg3[%arg1, %dma_start3A, %dma_start3A_35] : memref<16x80x125xi32, #tpu.memory_space<hbm>> -> memref<1x80x125xi32, #tpu.memory_space<hbm>>
      %dma_start3A_37 = tpu.memref_squeeze %dma_start3A_36 : memref<1x80x125xi32, #tpu.memory_space<hbm>> -> memref<80x125xi32, #tpu.memory_space<hbm>>
      %dma_start3A_38 = arith.constant 0 : i32
      %dma_start3A_39 = tpu.memref_slice %dma_start3A_37[%mul3A_22, %dma_start3A_38] : memref<80x125xi32, #tpu.memory_space<hbm>> -> memref<40x125xi32, #tpu.memory_space<hbm>>
      %dma_start3A_40 = arith.constant 0 : i32
      %dma_start3A_41 = arith.constant 0 : i32
      %dma_start3A_42 = tpu.memref_slice %arg3[%arg1, %dma_start3A_40, %dma_start3A_41] : memref<16x80x125xi32, #tpu.memory_space<hbm>> -> memref<1x80x125xi32, #tpu.memory_space<hbm>>
      %dma_start3A_43 = tpu.memref_squeeze %dma_start3A_42 : memref<1x80x125xi32, #tpu.memory_space<hbm>> -> memref<80x125xi32, #tpu.memory_space<hbm>>
      %dma_start3A_44 = arith.constant 0 : i32
      %dma_start3A_45 = tpu.memref_slice %dma_start3A_43[%mul3A_22, %dma_start3A_44] : memref<80x125xi32, #tpu.memory_space<hbm>> -> memref<40x125xi32, #tpu.memory_space<hbm>>
      tpu.enqueue_dma source(%dma_start3A_45 : memref<40x125xi32, #tpu.memory_space<hbm>>) target(%arg10 : memref<40x125xi32, #tpu.memory_space<vmem>>) target_semaphore(%run_scoped3A : memref<!tpu.dma_semaphore, #tpu.memory_space<semaphore_mem>>)
      %dma_wait3A = arith.constant 0 : i32
      %dma_wait3A_46 = arith.constant 0 : i32
      %dma_wait3A_47 = tpu.memref_slice %arg3[%arg1, %dma_wait3A, %dma_wait3A_46] : memref<16x80x125xi32, #tpu.memory_space<hbm>> -> memref<1x80x125xi32, #tpu.memory_space<hbm>>
      %dma_wait3A_48 = tpu.memref_squeeze %dma_wait3A_47 : memref<1x80x125xi32, #tpu.memory_space<hbm>> -> memref<80x125xi32, #tpu.memory_space<hbm>>
      %dma_wait3A_49 = arith.constant 0 : i32
      %dma_wait3A_50 = tpu.memref_slice %dma_wait3A_48[%mul3A_22, %dma_wait3A_49] : memref<80x125xi32, #tpu.memory_space<hbm>> -> memref<40x125xi32, #tpu.memory_space<hbm>>
      %dma_wait3A_51 = arith.constant 0 : i32
      %dma_wait3A_52 = arith.constant 0 : i32
      %dma_wait3A_53 = tpu.memref_slice %arg3[%arg1, %dma_wait3A_51, %dma_wait3A_52] : memref<16x80x125xi32, #tpu.memory_space<hbm>> -> memref<1x80x125xi32, #tpu.memory_space<hbm>>
      %dma_wait3A_54 = tpu.memref_squeeze %dma_wait3A_53 : memref<1x80x125xi32, #tpu.memory_space<hbm>> -> memref<80x125xi32, #tpu.memory_space<hbm>>
      %dma_wait3A_55 = arith.constant 0 : i32
      %dma_wait3A_56 = tpu.memref_slice %dma_wait3A_54[%mul3A_22, %dma_wait3A_55] : memref<80x125xi32, #tpu.memory_space<hbm>> -> memref<40x125xi32, #tpu.memory_space<hbm>>
      tpu.wait_dma2 semaphore(%run_scoped3A : memref<!tpu.dma_semaphore, #tpu.memory_space<semaphore_mem>>) src(%dma_wait3A_56 : memref<40x125xi32, #tpu.memory_space<hbm>>) dst(%arg10 : memref<40x125xi32, #tpu.memory_space<vmem>>)
      tpu.yield
    }) : () -> ()
    %barrier3A_23 = arith.constant 0 : index
    tpu.barrier barrier_id(%barrier3A_23)
    %scan3A_24 = arith.constant 0 : i32
    %scan3A_25 = arith.constant 40 : i32
    %scan3A_26 = arith.addi %scan3A_24, %scan3A_25 : i32
    %scan3A_27 = arith.constant 1 : i32
    scf.for %scan3A_35 = %scan3A_24 to %scan3A_26 step %scan3A_27  : i32 {
      %mul3A_36 = arith.constant 1 : i32
      %mul3A_37 = arith.muli %scan3A_35, %mul3A_36 : i32
      %add3A = arith.constant 0 : i32
      %add3A_38 = arith.addi %add3A, %mul3A_37 : i32
      "tpu.region"() ({
        %run_scoped3A = tpu.sem_alloc : memref<!tpu.dma_semaphore, #tpu.memory_space<semaphore_mem>>
        %dma_start3A = arith.constant 0 : i32
        %dma_start3A_39 = tpu.memref_slice %arg10[%add3A_38, %dma_start3A] : memref<40x125xi32, #tpu.memory_space<vmem>> -> memref<1x125xi32, #tpu.memory_space<vmem>>
        %dma_start3A_40 = tpu.memref_squeeze %dma_start3A_39 : memref<1x125xi32, #tpu.memory_space<vmem>> -> memref<125xi32, #tpu.memory_space<vmem>>
        %dma_start3A_41 = arith.constant 0 : i32
        %dma_start3A_42 = arith.constant 0 : i32
        %dma_start3A_43 = tpu.memref_slice %arg13[%dma_start3A_41, %dma_start3A_42] : memref<10000x128xf32, #tpu.memory_space<vmem_shared>> -> memref<10000x128xf32, #tpu.memory_space<vmem_shared>>
        tpu.enqueue_indirect_dma source(%arg11 : memref<125x128xf32, #tpu.memory_space<vmem>>) target(%dma_start3A_43 : memref<10000x128xf32, #tpu.memory_space<vmem_shared>>) offsets(%dma_start3A_40 : memref<125xi32, #tpu.memory_space<vmem>>) semaphore(%run_scoped3A : memref<!tpu.dma_semaphore, #tpu.memory_space<semaphore_mem>>) {add = true}
        %dma_wait3A = arith.constant 0 : i32
        %dma_wait3A_44 = tpu.memref_slice %arg10[%add3A_38, %dma_wait3A] : memref<40x125xi32, #tpu.memory_space<vmem>> -> memref<1x125xi32, #tpu.memory_space<vmem>>
        %dma_wait3A_45 = tpu.memref_squeeze %dma_wait3A_44 : memref<1x125xi32, #tpu.memory_space<vmem>> -> memref<125xi32, #tpu.memory_space<vmem>>
        %dma_wait3A_46 = arith.constant 0 : i32
        %dma_wait3A_47 = arith.constant 0 : i32
        %dma_wait3A_48 = tpu.memref_slice %arg13[%dma_wait3A_46, %dma_wait3A_47] : memref<10000x128xf32, #tpu.memory_space<vmem_shared>> -> memref<10000x128xf32, #tpu.memory_space<vmem_shared>>
        tpu.wait_indirect_dma semaphore(%run_scoped3A : memref<!tpu.dma_semaphore, #tpu.memory_space<semaphore_mem>>) src(%arg11 : memref<125x128xf32, #tpu.memory_space<vmem>>) dst(%dma_wait3A_48 : memref<10000x128xf32, #tpu.memory_space<vmem_shared>>)
        tpu.yield
      }) : () -> ()
    }
    %scan3A_28 = arith.constant 40 : i32
    %barrier3A_29 = arith.constant 0 : index
    tpu.barrier barrier_id(%barrier3A_29)
    "tpu.region"() ({
      %run_scoped3A = tpu.sem_alloc : memref<!tpu.dma_semaphore, #tpu.memory_space<semaphore_mem>>
      %dma_start3A = arith.constant 0 : i32
      %dma_start3A_35 = arith.constant 0 : i32
      %dma_start3A_36 = tpu.memref_slice %arg8[%arg0, %dma_start3A, %dma_start3A_35] : memref<2x10000x128xf32, #tpu.memory_space<hbm>> -> memref<1x10000x128xf32, #tpu.memory_space<hbm>>
      %dma_start3A_37 = tpu.memref_squeeze %dma_start3A_36 : memref<1x10000x128xf32, #tpu.memory_space<hbm>> -> memref<10000x128xf32, #tpu.memory_space<hbm>>
      %dma_start3A_38 = arith.constant 0 : i32
      %dma_start3A_39 = tpu.memref_slice %dma_start3A_37[%mul3A_0, %dma_start3A_38] : memref<10000x128xf32, #tpu.memory_space<hbm>> -> memref<624x128xf32, #tpu.memory_space<hbm>>
      %dma_start3A_40 = arith.constant 0 : i32
      %dma_start3A_41 = tpu.memref_slice %arg13[%mul3A_0, %dma_start3A_40] : memref<10000x128xf32, #tpu.memory_space<vmem_shared>> -> memref<624x128xf32, #tpu.memory_space<vmem_shared>>
      tpu.enqueue_dma source(%dma_start3A_41 : memref<624x128xf32, #tpu.memory_space<vmem_shared>>) target(%dma_start3A_39 : memref<624x128xf32, #tpu.memory_space<hbm>>) target_semaphore(%run_scoped3A : memref<!tpu.dma_semaphore, #tpu.memory_space<semaphore_mem>>)
      %dma_wait3A = arith.constant 0 : i32
      %dma_wait3A_42 = arith.constant 0 : i32
      %dma_wait3A_43 = tpu.memref_slice %arg8[%arg0, %dma_wait3A, %dma_wait3A_42] : memref<2x10000x128xf32, #tpu.memory_space<hbm>> -> memref<1x10000x128xf32, #tpu.memory_space<hbm>>
      %dma_wait3A_44 = tpu.memref_squeeze %dma_wait3A_43 : memref<1x10000x128xf32, #tpu.memory_space<hbm>> -> memref<10000x128xf32, #tpu.memory_space<hbm>>
      %dma_wait3A_45 = arith.constant 0 : i32
      %dma_wait3A_46 = tpu.memref_slice %dma_wait3A_44[%mul3A_0, %dma_wait3A_45] : memref<10000x128xf32, #tpu.memory_space<hbm>> -> memref<624x128xf32, #tpu.memory_space<hbm>>
      %dma_wait3A_47 = arith.constant 0 : i32
      %dma_wait3A_48 = tpu.memref_slice %arg13[%mul3A_0, %dma_wait3A_47] : memref<10000x128xf32, #tpu.memory_space<vmem_shared>> -> memref<624x128xf32, #tpu.memory_space<vmem_shared>>
      tpu.wait_dma2 semaphore(%run_scoped3A : memref<!tpu.dma_semaphore, #tpu.memory_space<semaphore_mem>>) src(%dma_wait3A_48 : memref<624x128xf32, #tpu.memory_space<vmem_shared>>) dst(%dma_wait3A_46 : memref<624x128xf32, #tpu.memory_space<hbm>>)
      tpu.yield
    }) : () -> ()
    %eq3A_30 = arith.constant 15 : i32
    %eq3A_31 = arith.cmpi eq, %arg1, %eq3A_30 : i32
    %convert_element_type3A_32 = arith.extui %eq3A_31 : i1 to i32
    %cond3A_33 = arith.constant 0 : i32
    %cond3A_34 = arith.cmpi ne, %convert_element_type3A_32, %cond3A_33 : i32
    scf.if %cond3A_34 {
      "tpu.region"() ({
        %run_scoped3A = tpu.sem_alloc : memref<!tpu.dma_semaphore, #tpu.memory_space<semaphore_mem>>
        %dma_start3A = arith.constant 0 : i32
        %dma_start3A_35 = arith.constant 0 : i32
        %dma_start3A_36 = tpu.memref_slice %arg8[%arg0, %dma_start3A, %dma_start3A_35] : memref<2x10000x128xf32, #tpu.memory_space<hbm>> -> memref<1x10000x128xf32, #tpu.memory_space<hbm>>
        %dma_start3A_37 = tpu.memref_squeeze %dma_start3A_36 : memref<1x10000x128xf32, #tpu.memory_space<hbm>> -> memref<10000x128xf32, #tpu.memory_space<hbm>>
        %dma_start3A_38 = arith.constant 9984 : i32
        %dma_start3A_39 = arith.constant 0 : i32
        %dma_start3A_40 = tpu.memref_slice %dma_start3A_37[%dma_start3A_38, %dma_start3A_39] : memref<10000x128xf32, #tpu.memory_space<hbm>> -> memref<16x128xf32, #tpu.memory_space<hbm>>
        %dma_start3A_41 = arith.constant 9984 : i32
        %dma_start3A_42 = arith.constant 0 : i32
        %dma_start3A_43 = tpu.memref_slice %arg13[%dma_start3A_41, %dma_start3A_42] : memref<10000x128xf32, #tpu.memory_space<vmem_shared>> -> memref<16x128xf32, #tpu.memory_space<vmem_shared>>
        tpu.enqueue_dma source(%dma_start3A_43 : memref<16x128xf32, #tpu.memory_space<vmem_shared>>) target(%dma_start3A_40 : memref<16x128xf32, #tpu.memory_space<hbm>>) target_semaphore(%run_scoped3A : memref<!tpu.dma_semaphore, #tpu.memory_space<semaphore_mem>>)
        %dma_wait3A = arith.constant 0 : i32
        %dma_wait3A_44 = arith.constant 0 : i32
        %dma_wait3A_45 = tpu.memref_slice %arg8[%arg0, %dma_wait3A, %dma_wait3A_44] : memref<2x10000x128xf32, #tpu.memory_space<hbm>> -> memref<1x10000x128xf32, #tpu.memory_space<hbm>>
        %dma_wait3A_46 = tpu.memref_squeeze %dma_wait3A_45 : memref<1x10000x128xf32, #tpu.memory_space<hbm>> -> memref<10000x128xf32, #tpu.memory_space<hbm>>
        %dma_wait3A_47 = arith.constant 9984 : i32
        %dma_wait3A_48 = arith.constant 0 : i32
        %dma_wait3A_49 = tpu.memref_slice %dma_wait3A_46[%dma_wait3A_47, %dma_wait3A_48] : memref<10000x128xf32, #tpu.memory_space<hbm>> -> memref<16x128xf32, #tpu.memory_space<hbm>>
        %dma_wait3A_50 = arith.constant 9984 : i32
        %dma_wait3A_51 = arith.constant 0 : i32
        %dma_wait3A_52 = tpu.memref_slice %arg13[%dma_wait3A_50, %dma_wait3A_51] : memref<10000x128xf32, #tpu.memory_space<vmem_shared>> -> memref<16x128xf32, #tpu.memory_space<vmem_shared>>
        tpu.wait_dma2 semaphore(%run_scoped3A : memref<!tpu.dma_semaphore, #tpu.memory_space<semaphore_mem>>) src(%dma_wait3A_52 : memref<16x128xf32, #tpu.memory_space<vmem_shared>>) dst(%dma_wait3A_49 : memref<16x128xf32, #tpu.memory_space<hbm>>)
        tpu.yield
      }) : () -> ()
    } else {
    }
    return
  }
}

module attributes {stable_mosaic.version = 14 : i64} {
  func.func @body(%arg0: i32, %arg1: memref<1000x256xf32, #tpu.memory_space<vmem>>, %arg2: memref<2x1000x128xf32, #tpu.memory_space<vmem>>, %arg3: memref<2x1000x128xf32, #tpu.memory_space<vmem>>, %arg4: memref<256x256xf32, #tpu.memory_space<vmem>>, %arg5: memref<1000x512xf32, #tpu.memory_space<vmem>>) attributes {dimension_semantics = [#tpu.dimension_semantics<arbitrary>], iteration_bounds = array<i64: 10>, scalar_prefetch = 0 : i64, scratch_operands = 0 : i64, tpu.core_type = #tpu.core_type<tc>, window_params = [{transform_indices = @transform_0, window_bounds = array<i64: 1000, 256>}, {transform_indices = @transform_1, window_bounds = array<i64: 2, 1000, 128>}, {transform_indices = @transform_2, window_bounds = array<i64: 2, 1000, 128>}, {pipeline_mode = #tpu.pipeline_mode<synchronous>, transform_indices = @transform_3, window_bounds = array<i64: 256, 256>}, {transform_indices = @transform_4, window_bounds = array<i64: 1000, 512>}]} {
    %get3A = arith.constant 0 : index
    %get3A_0 = arith.constant 0 : index
    %get3A_1 = vector.load %arg4[%get3A, %get3A_0] : memref<256x256xf32, #tpu.memory_space<vmem>>, vector<256x256xf32>
    %get3A_2 = arith.constant 0 : index
    %get3A_3 = arith.constant 0 : index
    %get3A_4 = vector.load %arg1[%get3A_2, %get3A_3] : memref<1000x256xf32, #tpu.memory_space<vmem>>, vector<1000x256xf32>
    %dot_general3A = arith.constant dense<0.000000e+00> : vector<1000x256xf32>
    %dot_general3A_5 = tpu.matmul %get3A_4, %get3A_1, %dot_general3A {dimension_numbers = #tpu.dot_dimension_numbers<[1], [0], [0], [1], [0, 0, 1, 1], [], []>, transpose_lhs_hint = false} : vector<1000x256xf32>, vector<256x256xf32>, vector<1000x256xf32> -> vector<1000x256xf32>
    %get3A_6 = arith.constant 0 : index
    %get3A_7 = arith.constant 0 : index
    %get3A_8 = arith.constant 0 : index
    %get3A_9 = vector.load %arg2[%get3A_6, %get3A_7, %get3A_8] : memref<2x1000x128xf32, #tpu.memory_space<vmem>>, vector<1x1000x128xf32>
    %get3A_10 = vector.shape_cast %get3A_9 : vector<1x1000x128xf32> to vector<1000x128xf32>
    %get3A_11 = arith.constant 1 : index
    %get3A_12 = arith.constant 0 : index
    %get3A_13 = arith.constant 0 : index
    %get3A_14 = vector.load %arg2[%get3A_11, %get3A_12, %get3A_13] : memref<2x1000x128xf32, #tpu.memory_space<vmem>>, vector<1x1000x128xf32>
    %get3A_15 = vector.shape_cast %get3A_14 : vector<1x1000x128xf32> to vector<1000x128xf32>
    %concatenate3A = tpu.concatenate %get3A_10, %get3A_15 in 1 : vector<1000x128xf32>, vector<1000x128xf32> -> vector<1000x256xf32>
    %get3A_16 = arith.constant 0 : index
    %get3A_17 = arith.constant 0 : index
    %get3A_18 = arith.constant 0 : index
    %get3A_19 = vector.load %arg3[%get3A_16, %get3A_17, %get3A_18] : memref<2x1000x128xf32, #tpu.memory_space<vmem>>, vector<1x1000x128xf32>
    %get3A_20 = vector.shape_cast %get3A_19 : vector<1x1000x128xf32> to vector<1000x128xf32>
    %get3A_21 = arith.constant 1 : index
    %get3A_22 = arith.constant 0 : index
    %get3A_23 = arith.constant 0 : index
    %get3A_24 = vector.load %arg3[%get3A_21, %get3A_22, %get3A_23] : memref<2x1000x128xf32, #tpu.memory_space<vmem>>, vector<1x1000x128xf32>
    %get3A_25 = vector.shape_cast %get3A_24 : vector<1x1000x128xf32> to vector<1000x128xf32>
    %add3A = arith.addf %get3A_20, %get3A_25 : vector<1000x128xf32>
    %slice3A = vector.extract_strided_slice %add3A {offsets = [0, 0], sizes = [1000, 1], strides = [1, 1]} : vector<1000x128xf32> to vector<1000x1xf32>
    %max3A = arith.constant 1.000000e+00 : f32
    %max3A_26 = vector.broadcast %max3A : f32 to vector<1000x1xf32>
    %max3A_27 = arith.maximumf %slice3A, %max3A_26 : vector<1000x1xf32>
    %div3A = vector.broadcast %max3A_27 : vector<1000x1xf32> to vector<1000x256xf32>
    %div3A_28 = arith.divf %concatenate3A, %div3A : vector<1000x256xf32>
    %dot_general3A_29 = arith.constant dense<0.000000e+00> : vector<1000x256xf32>
    %dot_general3A_30 = tpu.matmul %div3A_28, %get3A_1, %dot_general3A_29 {dimension_numbers = #tpu.dot_dimension_numbers<[1], [0], [0], [1], [0, 0, 1, 1], [], []>, transpose_lhs_hint = false} : vector<1000x256xf32>, vector<256x256xf32>, vector<1000x256xf32> -> vector<1000x256xf32>
    %concatenate3A_31 = tpu.concatenate %dot_general3A_5, %dot_general3A_30 in 1 : vector<1000x256xf32>, vector<1000x256xf32> -> vector<1000x512xf32>
    %swap3A = arith.constant 0 : index
    %swap3A_32 = arith.constant 0 : index
    %swap3A_33 = vector.load %arg5[%swap3A, %swap3A_32] : memref<1000x512xf32, #tpu.memory_space<vmem>>, vector<1000x512xf32>
    tpu.vector_store %arg5[%swap3A, %swap3A_32], %concatenate3A_31 {strides = array<i32>} : memref<1000x512xf32, #tpu.memory_space<vmem>>, vector<1000x512xf32>,
    return
  }
  func.func @transform_0(%arg0: i32) -> (i32, i32) {
    %c0_i32 = arith.constant 0 : i32
    %c0_i32_0 = arith.constant 0 : i32
    return %arg0, %c0_i32 : i32, i32
  }
  func.func @transform_1(%arg0: i32) -> (i32, i32, i32) {
    %c0_i32 = arith.constant 0 : i32
    %c0_i32_0 = arith.constant 0 : i32
    %c0_i32_1 = arith.constant 0 : i32
    return %c0_i32, %arg0, %c0_i32_0 : i32, i32, i32
  }
  func.func @transform_2(%arg0: i32) -> (i32, i32, i32) {
    %c0_i32 = arith.constant 0 : i32
    %c0_i32_0 = arith.constant 0 : i32
    %c0_i32_1 = arith.constant 0 : i32
    return %c0_i32, %arg0, %c0_i32_0 : i32, i32, i32
  }
  func.func @transform_3(%arg0: i32) -> (i32, i32) {
    %c0_i32 = arith.constant 0 : i32
    %c0_i32_0 = arith.constant 0 : i32
    %c0_i32_1 = arith.constant 0 : i32
    return %c0_i32, %c0_i32_0 : i32, i32
  }
  func.func @transform_4(%arg0: i32) -> (i32, i32) {
    %c0_i32 = arith.constant 0 : i32
    %c0_i32_0 = arith.constant 0 : i32
    return %arg0, %c0_i32 : i32, i32
  }
}

</mosaic_0001>

<sc_bundles>
// kernel: kernel.4.cloned.1.call-start
scs
__scs_entry_jumppad:
0x0: {  	(pc) =	sbr.rel $0x88, $3  }
0x1: {  	(tag) =	ssettag $0x0;
	lr =	simm.s32 $0x1  }
0x2: {  	[smem:$0x3F9E] =	sst lr;
	_ =	strace $0xD0000000  }
0x3: {  	_ = 	snop  }
0x4: {  	_ = 	snop  }
0x5: {  	_ = 	snop  }
0x6: {  	_ = 	snop  }
0x7: {  	_ = 	snop  }
__scs_overlays_trampoline_lowered:
0x8: {  	[smem:$0x3FAD] =	sst s0  }
0x9: {  	[smem:$0x3FAE] =	sst s1  }
0xa: {  	[smem:$0x3FAF] =	sst s2  }
0xb: {  	[smem:$0x3FB0] =	sst s3  }
0xc: {  	[smem:$0x3FB1] =	sst s4  }
0xd: {  	[smem:$0x3FB2] =	sst s5  }
0xe: {  	[smem:$0x3FB3] =	sst s6  }
0xf: {  	[smem:$0x3FB4] =	sst s7  }
0x10: {  	[smem:$0x3FB5] =	sst s8  }
0x11: {  	[smem:$0x3FB6] =	sst s9;
	s0 =	simm.s32 @!p0 $0x0  }
0x12: {  	s1 =	sld [smem:$0x3F9C];
	s0 =	simm.s32 @p0 $0x1  }
0x13: {  	[smem:$0x3FB7] =	sst s0;
	s0 =	simm.s32 @!p1 $0x0  }
0x14: {  	s2 =	sld [smem:$0x3F9B];
	s0 =	simm.s32 @p1 $0x1  }
0x15: {  	[smem:$0x3FB8] =	sst s0;
	s0 =	simm.s32 @!p2 $0x0  }
0x16: {  	s3 =	sld [smem:$0x3FDB];
	s0 =	simm.s32 @p2 $0x1  }
0x17: {  	s4 =	simm.s32 $0x1BF5;
	[smem:$0x3FBA] =	sst s0  }
0x18: {  	s0 =	sld [smem:$0x3F9D];
	_ =	swait.ge [sflag:s4], $0x0  }
0x19: {  	s7 =	sld [smem:$0x3F9E]  }
0x1a: {  	s8 =	sadd.s32 $0xFFFFE003, lr  }
0x1b: {  	s9 =	sadd.s32 $0xFFFFFEF7, lr;
	s5 =	simm.s32 $0xFFFFFFFF;
	p2 =	slt.u32 s8, $0xFFFFF086  }
0x1c: {  	p1 =	slt.u32 s9, $0xF7A;
	s5 =	simm.s32 @!p2 $0x0  }
0x1d: {  	s5 =	simm.s32 @p1 $0x1;
	p0 =	seq.s32 s7, s2  }
0x1e: {  	s7 =	smul.u32 @!p0 $0xF7A, s2;
	p2 =	seq.s32 @!p0 s5, $0x0  }
0x1f: {  	s9 =	smul.u32 $0xF7A, s1;
	s8 =	simm.s32 @!p0 $0x1BF5;
	p2 =	por !p2, p0  }
0x20: {  	[sflag:s8] =	ssyncset.s32 @!p0 $0xFFFFF086;
	s6 =	sadd.s32 @!p0 s3, s7;
	s7 =	simm.s32 @!p0 $0x108  }
0x21: {  	s3 =	sadd.s32 s3, s9;
	s6 =	sadd.s32 @!p0 $0x88, s6;
	s7 =	simm.s32 @p2 $0x1082  }
0x22: {  	[simem:s7], [sflag:s8] =	dma.local @!p0 [hbm:s6], $0xF7A  }
0x23: {  	s9 =	sor.u32 $0xD0000000, s2;
	s6 =	simm.s32 $0x108;
	_ =	swait.ge @!p0 [sflag:s8], $0x0  }
0x24: {  	s3 =	sadd.s32 $0x88, s3;
	s6 =	simm.s32 @!p1 $0x1082;
	[sflag:s4] =	ssyncset.s32 $0xFFFFF086  }
0x25: {  	[simem:s6], [sflag:s4] =	dma.local [hbm:s3], $0xF7A  }
0x26: {  	[smem:$0x3F9E] =	sst s1;
	(tag) =	ssettag s2;
	_ =	strace s9  }
0x27: {  	s1 =	sld [smem:$0x3FAE]  }
0x28: {  	s2 =	sld [smem:$0x3FAF]  }
0x29: {  	s4 =	sld [smem:$0x3FB1]  }
0x2a: {  	p0 =	seq.s32 s5, $0x0;
	s5 =	sld [smem:$0x3FB2]  }
0x2b: {  	s6 =	sld [smem:$0x3FB3]  }
0x2c: {  	s7 =	sld [smem:$0x3FB4]  }
0x2d: {  	s3 =	simm.s32 $0x108;
	s8 =	sld [smem:$0x3FB5]  }
0x2e: {  	s3 =	simm.s32 @!p0 $0x1082;
	s9 =	sld [smem:$0x3FB6]  }
0x2f: {  	lr =	sadd.s32 s0, s3;
	s0 =	sld [smem:$0x3FAD]  }
0x30: {  	s3 =	sld [smem:$0x3FB0]  }
0x31: {  	[smem:$0x3FB9] =	sst s10  }
0x32: {  	s10 =	sld [smem:$0x3FB7];
	_ =	sdelay $0x3  }
0x33: {  	p0 =	seq.s32 s10, $0x1;
	s10 =	sld [smem:$0x3FB9];
	_ =	sdelay $0x3  }
0x34: {  	[smem:$0x3FB9] =	sst s10  }
0x35: {  	s10 =	sld [smem:$0x3FB8];
	_ =	sdelay $0x3  }
0x36: {  	p1 =	seq.s32 s10, $0x1;
	s10 =	sld [smem:$0x3FB9];
	_ =	sdelay $0x3  }
0x37: {  	[smem:$0x3FB9] =	sst s10  }
0x38: {  	s10 =	sld [smem:$0x3FBA]  }
0x39: {  	_ = 	snop;
	(pc) =	sbr.ind lr, $3  }
0x3a: {  	_ = 	snop  }
0x3b: {  	_ = 	snop  }
0x3c: {  	p2 =	seq.s32 s10, $0x1;
	s10 =	sld [smem:$0x3FB9]  }
0x3d: {  	_ =	shalt  }
0x3e: {  	_ =	shalt  }
0x3f: {  	_ =	shalt  }
0x40: {  	_ =	shalt  }
0x41: {  	_ =	shalt  }
0x42: {  	_ =	shalt  }
0x43: {  	_ =	shalt  }
0x44: {  	_ =	shalt  }
0x45: {  	_ =	shalt  }
0x46: {  	_ =	shalt  }
0x47: {  	_ =	shalt  }
0x48: {  	_ =	shalt  }
0x49: {  	_ =	shalt  }
0x4a: {  	_ =	shalt  }
0x4b: {  	_ =	shalt  }
0x4c: {  	_ =	shalt  }
0x4d: {  	_ =	shalt  }
0x4e: {  	_ =	shalt  }
0x4f: {  	_ =	shalt  }
0x50: {  	_ =	shalt  }
0x51: {  	_ =	shalt  }
0x52: {  	_ =	shalt  }
0x53: {  	_ =	shalt  }
0x54: {  	_ =	shalt  }
0x55: {  	_ =	shalt  }
0x56: {  	_ =	shalt  }
0x57: {  	_ =	shalt  }
0x58: {  	_ =	shalt  }
0x59: {  	_ =	shalt  }
0x5a: {  	_ =	shalt  }
0x5b: {  	_ =	shalt  }
0x5c: {  	_ =	shalt  }
0x5d: {  	_ =	shalt  }
0x5e: {  	_ =	shalt  }
0x5f: {  	_ =	shalt  }
0x60: {  	_ =	shalt  }
0x61: {  	_ =	shalt  }
0x62: {  	_ =	shalt  }
0x63: {  	_ =	shalt  }
0x64: {  	_ =	shalt  }
0x65: {  	_ =	shalt  }
0x66: {  	_ =	shalt  }
0x67: {  	_ =	shalt  }
0x68: {  	_ =	shalt  }
0x69: {  	_ =	shalt  }
0x6a: {  	_ =	shalt  }
0x6b: {  	_ =	shalt  }
0x6c: {  	_ =	shalt  }
0x6d: {  	_ =	shalt  }
0x6e: {  	_ =	shalt  }
0x6f: {  	_ =	shalt  }
0x70: {  	_ =	shalt  }
0x71: {  	_ =	shalt  }
0x72: {  	_ =	shalt  }
0x73: {  	_ =	shalt  }
0x74: {  	_ =	shalt  }
0x75: {  	_ =	shalt  }
0x76: {  	_ =	shalt  }
0x77: {  	_ =	shalt  }
0x78: {  	_ =	shalt  }
0x79: {  	_ =	shalt  }
0x7a: {  	_ =	shalt  }
0x7b: {  	_ =	shalt  }
0x7c: {  	_ =	shalt  }
0x7d: {  	_ =	shalt  }
0x7e: {  	_ =	shalt  }
0x7f: {  	_ =	shalt  }
0x80: {  	_ =	shalt  }
0x81: {  	_ =	shalt  }
0x82: {  	_ =	shalt  }
0x83: {  	_ =	shalt  }
0x84: {  	_ =	shalt  }
0x85: {  	_ =	shalt  }
0x86: {  	_ =	shalt  }
0x87: {  	_ =	shalt  }
.Lfunc_end0:
.L_simem_size_0:
called_computation_lowered:
.L_overlay_start_0:
0x88: {  	s2 =	sld [smem:$0x3FD9]  }
0x89: {  	s3 =	sld [smem:$0x3FFE];
	_ =	sdelay $0x1  }
0x8a: {  	s1 =	srdreg.scid  }
0x8b: {  	s0 =	sand.u32 $0x1, s1  }
0x8c: {  	s17 =	sshll.u32 s0, $0xA;
	s2 =	sadd.s32 s3, s2  }
0x8d: {  	s2 =	sadd.s32 s2, s17  }
0x8e: {  	[smem:$0x3FC5] =	sst s2  }
0x8f: {  	_ = 	snop  }
0x90: {  	s2 =	sld [smem:$0x3FC9]  }
0x91: {  	s18 =	sld [smem:$0x3FD0];
	(tm) =	ssettm $0x1  }
0x92: {  	s4 =	sld [smem:$0x3FFB];
	_ =	sdelay $0x3  }
0x93: {  	_ =	strace s4  }
0x94: {  	s4 =	sld [smem:$0x3FFC];
	_ =	sdelay $0x3  }
0x95: {  	_ =	strace s4  }
0x96: {  	s4 =	sld [smem:$0x3FFD];
	_ =	sdelay $0x3  }
0x97: {  	_ =	strace s4  }
0x98: {  	_ =	strace $0x8FFFFFFF  }
0x99: {  	s19 =	sld [smem:$0x3FDB];
	_ =	sdelay $0x1  }
0x9a: {  	s5 =	simm.s32 $_scs_section_size  }
0x9b: {  	s6 =	simm.s32 $_size__tile_overlayer_lowered;
	s7 =	simm.s32 $_tile_overlayer_lowered  }
0x9c: {  	s22 =	simm.s32 $0x1BFF;
	s21 =	sshll.u32 s7, $0x1;
	s4 =	sadd.s32 s5, s19  }
0x9d: {  	s8 =	simm.s32 $0x0;
	s20 =	sshll.u32 s6, $0x1;
	s6 =	sadd.s32 s21, s4  }
0x9e: {  	[timem:s8], [sflag:s22] =	dma.local [hbm:s6], s20  }
0x9f: {  	_ =	swait.ge [sflag:s22], s20  }
0xa0: {  	s5 =	ssub.s32 $0x0, s20;
	[sflag:s22] =	ssyncset.done $0x0  }
0xa1: {  	[sflag:s22] =	ssyncadd.s32 s5;
	_ =	sdelay $0x1  }
0xa2: {  	s23 =	simm.s32 $0x1B8B  }
0xa3: {  	_ =	swait.ge [sflag:s23], $0x1  }
0xa4: {  	[sflag:s23] =	ssyncset.done $0x0  }
0xa5: {  	s25 =	simm.s32 $0x1B8E;
	s24 =	sld [smem:$0x3FFE];
	[sflag:s23] =	ssyncadd.s32 $0xFFFFFFFF  }
0xa6: {  	s26 =	simm.s32 $execute0_lowered;
	[smem:$0x3FD2] =	sst s25  }
0xa7: {  	s6 =	sshll.u32 s26, $0x1;
	_ =	strace $0x80000046;
	[dreg:$0x1] =	wrdreg $0xFFFFFFFF  }
0xa8: {  	s28 =	simm.s32 $_size_execute0_lowered;
	s4 =	sadd.s32 s4, s6;
	[dreg:$0x0] =	wrdreg $0x0  }
0xa9: {  	s6 =	sshll.u32 s28, $0x1;
	[dreg:$0x2] =	wrdreg s4  }
0xaa: {  	[dreg:$0x3] =	wrdreg s6  }
0xab: {  	[dreg:$0x4] =	wrdreg $0xC0  }
0xac: {  	_ =	task [dreg:s8], $0x5FFFF  }
0xad: {  	[dreg:$0x1] =	wrdreg $0xFFFFFFFF  }
0xae: {  	[dreg:$0x0] =	wrdreg $0x60  }
0xaf: {  	[dreg:$0x2] =	wrdreg s2  }
0xb0: {  	[dreg:$0x3] =	wrdreg s24  }
0xb1: {  	[dreg:$0x4] =	wrdreg s18  }
0xb2: {  	[dreg:$0x5] =	wrdreg $0xA8000  }
0xb3: {  	[dreg:$0x6] =	wrdreg $0x9  }
0xb4: {  	_ =	task.clear_ibuf [dreg:s8], $0x7FFFF;
	_ =	strace $0x90000046  }
0xb5: {  	s29 =	simm.s32 $0x9;
	_ =	strace $0x80000048  }
0xb6: {  	_ =	swait.ge [sflag:s29], $0x1  }
0xb7: {  	[sflag:s29] =	ssyncadd.s32 $0xFFFFFFFF  }
0xb8: {  	_ =	strace $0x90000048  }
0xb9: {  	_ =	sfence  }
0xba: {  	s30 =	sld [smem:$0x0];
	_ =	sdelay $0x2  }
0xbb: {  	s31 =	sshll.u32 s1, $0xD;
	s1 =	sshrl.u32 s1, $0x2  }
0xbc: {  	s3 =	sand.u32 $0x4000, s31;
	s1 =	sadd.s32 s1, s30  }
0xbd: {  	s0 =	sor.u32 s3, s0;
	s1 =	sshll.u32 s1, $0x11  }
0xbe: {  	s0 =	sor.u32 s1, s0  }
0xbf: {  	s0 =	sadd.s32 $0x8F2B, s0  }
0xc0: {  	[sflag:s0] =	ssyncadd.remote.s32 $0x1  }
0xc1: {  	_ =	sfence.sel $0xFFFF  }
0xc2: {  	[dreg:$0x0] =	wrdreg $0xFFFFFFFF;
	(pc) =	sbr.abs _section_cstart, $3  }
0xc3: {  	[dreg:$0x1] =	wrdreg $0xFFFFFFFF  }
0xc4: {  	_ =	task.clear_ibuf [dreg:s8], $0x2FFFF;
	_ =	strace $0x9FFFFFFF  }
0xc5: {  	(tm) =	ssettm $0x7FFFFFFF  }
tec
execute0_lowered:
.L_overlay_start_1:
0x0: {  	(tag) =	ssettag $0x1  }
0x1: {  	s0 =	rddreg [dreg:$0x0]  }
0x2: {  	s1 =	rddreg [dreg:$0x1]  }
0x3: {  	s4 =	rddreg [dreg:$0x2]  }
0x4: {  	s2 =	rddreg [dreg:$0x3];
	s3 =	simm.s32 $0x0;
	s12 =	stileid.u32  }
0x5: {  	s5 =	srdreg.scid;
	s16 =	simm.s32 $0x3;
	s17 =	simm.s32 $0x6800  }
0x6: {  	s28 =	simm.s32 $0xA300;
	s29 =	simm.s32 $0xA380;
	s30 =	simm.s32 $0xA000  }
0x7: {  	s31 =	simm.s32 $0xA280;
	s14 =	simm.s32 $0xA080;
	s15 =	simm.s32 $0x1  }
0x8: {  	[smem:$0x7FF] =	sst s3;
	s6 =	smul.u32 $0x500, s12;
	s5 =	sand.u32 $0x1, s5  }
0x9: {  	s8 =	sadd.s32 $0xB800, s1;
	s18 =	smul.u32 $0x4E000, s12;
	s9 =	sadd.s32 $0xB000, s1  }
0xa: {  	s11 =	sshll.u32 s12, $0x6;
	s23 =	smul.u32 $0x2700, s12;
	p0 =	sne.s32 s12, $0xF  }
0xb: {  	s12 =	simm.s32 $0xA500;
	_ =	strace $0x80000047;
	[dreg:$0x5] =	wrdreg s8  }
0xc: {  	s7 =	smul.u32 $0x27100, s5;
	[dreg:$0x6] =	wrdreg s9;
	s19 =	ssub.s32 $0x2, s5  }
0xd: {  	s20 =	sor.u32 $0x1C03, s11;
	s22 =	sshll.u32 s5, $0x7;
	s25 =	smul.u32 $0x280, s5  }
0xe: {  	s5 =	simm.s32 $0xA100;
	s11 =	simm.s32 $0xA480;
	s6 =	sadd.s32 s6, s1  }
0xf: {  	s10 =	sshrl.u32 s19, $0x1;
	s8 =	sshrl.u32 s18, $0x2;
	[dreg:$0x8] =	wrdreg s20  }
0x10: {  	[dreg:$0xb] =	wrdreg s23;
	s20 =	simm.s32 $0x9D00;
	s23 =	simm.s32 $0x9E80  }
0x11: {  	s1 =	sadd.s32 s7, s1;
	s9 =	ssub.s32 s19, s10;
	s13 =	sadd.s32 s8, s2  }
0x12: {  	s8 =	sadd.s32 $0x138000, s2;
	s21 =	sadd.s32 $0x1000, s6;
	s6 =	sadd.s32 $0x6000, s6  }
0x13: {  	s10 =	sadd.s32 s0, s22;
	s24 =	sadd.s32 s4, s7;
	[dreg:$0x9] =	wrdreg s21  }
0x14: {  	s19 =	simm.s32 $0x2800;
	s22 =	simm.s32 $0x9E00;
	[dreg:$0xc] =	wrdreg s24  }
0x15: {  	s4 =	simm.s32 $0x7D;
	s7 =	simm.s32 $0x2;
	[dreg:$0x7] =	wrdreg s13  }
0x16: {  	v0 =	vimm.s32 $0x7;
	s1 =	sadd.s32 $0xE000, s1;
	s26 =	smax.u32 s9, $0x1;
	[dreg:$0xa] =	wrdreg s6  }
0x17: {  	v1 =	vimm.s32 $0x1;
	v2 =	vimm.s32 $0x0;
	v3 =	vlaneseq.u32;
	s18 =	sshrl.u32 s13, $0x3;
	s8 =	sshrl.u32 @!p0 s8, $0x3;
	[dreg:$0xd] =	wrdreg s1  }
0x18: {  	vm0 =	vmmov $0x1;
	v4 =	vimm.s32 $0x2;
	v5 =	vimm.s32 $0x3;
	s0 =	sadd.s32 s25, s6;
	s21 =	simm.s32 $0x9D80;
	[dreg:$0xe] =	wrdreg s26  }
0x19: {  	v6 =	vimm.s32 $0x4;
	v7 =	vimm.s32 $0x5;
	v8 =	vimm.s32 $0x6;
	s24 =	simm.s32 $0x9F00;
	s9 =	simm.s32 $0x0;
	[dreg:$0x11] =	wrdreg s0  }
0x1a: {  	v9 =	vimm.s32 $0x8;
	v10 =	vimm.s32 $0x9;
	v11 =	vimm.s32 $0xA;
	s25 =	simm.s32 $0xA400;
	s13 =	simm.s32 $0xA580;
	[dreg:$0x12] =	wrdreg s9  }
0x1b: {  	v12 =	vimm.s32 $0xB;
	v13 =	vimm.s32 $0xC;
	v14 =	vimm.s32 $0xD;
	s6 =	simm.s32 $0xA600;
	s26 =	simm.s32 $0x9F80;
	[dreg:$0xf] =	wrdreg s18  }
0x1c: {  	v15 =	vimm.s32 $0xE;
	v16 =	vimm.s32 $0xF;
	v3 =	vmul.u32 $0x8, v3;
	s0 =	simm.s32 $0xA200;
	s1 =	simm.s32 $0xA180;
	[dreg:$0x10] =	wrdreg s8  }
.LBB2_1:
0x1d: {  	s9 =	rddreg [dreg:$0x5]  }
0x1e: {  	s8 =	rddreg [dreg:$0x8]  }
0x1f: {  	s18 =	rddreg [dreg:$0xf]  }
0x20: {  	[spmem:s18], [sflag:s8] =	dma.local [hbm:s9], $0x2700  }
0x21: {  	_ =	swait.ge [sflag:s16], $0x2700  }
0x22: {  	[sflag:s16] =	ssyncset.done $0x0  }
0x23: {  	s18 =	rddreg [dreg:$0x10];
	[sflag:s16] =	ssyncadd.s32 $0xFFFFD900  }
0x24: {  	[spmem:s18], [sflag:s8] =	dma.local @!p0 [hbm:s9], $0x100  }
0x25: {  	s8 =	simm.s32 @!p0 $0x3  }
.Ltmp0:
0x26: {  	_ =	swait.ge @!p0 [sflag:s8], $0x100;
	(pc) =	sbr.rel .LBB2_2-.Ltmp0, $4  }
0x27: {  	[sflag:s8] =	ssyncset.done @!p0 $0x0  }
0x28: {  	[sflag:s8] =	ssyncadd.s32 @!p0 $0xFFFFFF00  }
0x29: {  	[bflag:$0x0] =	sbarrier.arrive $0xFFFF  }
0x2a: {  	p2 =	por $0x1, $0x1;
	s8 =	simm.s32 $0x0  }
.LBB2_6:
.Ltmp1:
0x2b: {  	(pc) =	sbr.rel @!p1 .LBB2_7-.Ltmp1, $2  }
0x2c: {  	_ =	sdelay $0x2  }
0x2d: {  	s8 =	simm.s32 $0x280;
	p2 =	por $0x0, $0x0  }
.LBB2_2:
0x2e: {  	s9 =	rddreg [dreg:$0x9]  }
0x2f: {  	s18 =	simm.s32 $0x0;
	s9 =	sadd.s32 s8, s9  }
0x30: {  	[tilespmem:s18], [sflag:$0x3] =	stream.linear.gather [hbm4b:s9+s18], $0x1400, $0x38;
	[tilespmem:$0x1E080] =	vst v63  }
0x31: {  	_ =	swait.ge [sflag:s16], $0x1400  }
0x32: {  	[sflag:s16] =	ssyncset.done $0x0;
	s9 =	rddreg [dreg:$0xa]  }
0x33: {  	[sflag:s16] =	ssyncadd.s32 $0xFFFFEC00;
	s8 =	sadd.s32 s8, s9;
	s9 =	simm.s32 $0x1400  }
0x34: {  	[tilespmem:s9], [sflag:$0x3] =	stream.linear.gather [hbm4b:s8+s18], $0x1400, $0x38;
	[tilespmem:$0x1E080] =	vst v63  }
0x35: {  	_ =	swait.ge [sflag:s16], $0x1400  }
0x36: {  	[sflag:s16] =	ssyncset.done $0x0  }
0x37: {  	[sflag:s16] =	ssyncadd.s32 $0xFFFFEC00  }
0x38: {  	v17 =	vld [tilespmem:$0x0];
	_ =	sdelay $0x4  }
0x39: {  	v18 =	vshll.u32 v17, $0x1  }
0x3a: {  	v17 =	vand.u32 $0x7, v17;
	v18 =	vand.u32 $0xFFFFFFF0, v18  }
0x3b: {  	v17 =	vor.u32 v17, v18  }
0x3c: {  	v18 =	vperm.xlane v17, v2;
	_ =	sdelay $0x1  }
0x3d: {  	v19 =	vperm.xlane v17, v1;
	v18 =	vadd.s32 v3, v18;
	_ =	sdelay $0x1  }
0x3e: {  	v20 =	vperm.xlane v17, v4;
	v19 =	vadd.s32 v3, v19;
	_ =	sdelay $0x1  }
0x3f: {  	v21 =	vperm.xlane v17, v5;
	v20 =	vadd.s32 v3, v20  }
0x40: {  	[tilespmem:s19], [sflag:$0x1] =	stream.indirect_vreg.gather [hbm4b:s10+s18], $0x80, v18, vm0, $0xb8;
	[tilespmem:$0x1E080] =	vst v63  }
0x41: {  	s9 =	simm.s32 $0x2880;
	v54 =	vperm.xlane v17, v6;
	v18 =	vadd.s32 v3, v21  }
0x42: {  	[tilespmem:s9], [sflag:$0x1] =	stream.indirect_vreg.gather [hbm4b:s10+s18], $0x80, v19, vm0, $0xb8;
	[tilespmem:$0x1E080] =	vst v63  }
0x43: {  	v55 =	vperm.xlane v17, v7;
	v19 =	vadd.s32 v3, v54;
	s9 =	simm.s32 $0x2900  }
0x44: {  	[tilespmem:s9], [sflag:$0x1] =	stream.indirect_vreg.gather [hbm4b:s10+s18], $0x80, v20, vm0, $0xb8;
	[tilespmem:$0x1E080] =	vst v63  }
0x45: {  	v57 =	vperm.xlane v17, v8;
	v56 =	vadd.s32 v3, v55;
	s9 =	simm.s32 $0x2980  }
0x46: {  	[tilespmem:s9], [sflag:$0x1] =	stream.indirect_vreg.gather [hbm4b:s10+s18], $0x80, v18, vm0, $0xb8;
	[tilespmem:$0x1E080] =	vst v63  }
0x47: {  	v58 =	vperm.xlane v17, v0;
	v18 =	vadd.s32 v3, v57;
	s9 =	simm.s32 $0x2A00  }
0x48: {  	[tilespmem:s9], [sflag:$0x1] =	stream.indirect_vreg.gather [hbm4b:s10+s18], $0x80, v19, vm0, $0xb8;
	[tilespmem:$0x1E080] =	vst v63  }
0x49: {  	v59 =	vperm.xlane v17, v9;
	v19 =	vadd.s32 v3, v58;
	s9 =	simm.s32 $0x2A80  }
0x4a: {  	[tilespmem:s9], [sflag:$0x1] =	stream.indirect_vreg.gather [hbm4b:s10+s18], $0x80, v56, vm0, $0xb8;
	[tilespmem:$0x1E080] =	vst v63  }
0x4b: {  	v61 =	vperm.xlane v17, v10;
	v60 =	vadd.s32 v3, v59;
	s9 =	simm.s32 $0x2B00  }
0x4c: {  	[tilespmem:s9], [sflag:$0x1] =	stream.indirect_vreg.gather [hbm4b:s10+s18], $0x80, v18, vm0, $0xb8;
	[tilespmem:$0x1E080] =	vst v63  }
0x4d: {  	v62 =	vperm.xlane v17, v11;
	v18 =	vadd.s32 v3, v61;
	s9 =	simm.s32 $0x2B80  }
0x4e: {  	[tilespmem:s9], [sflag:$0x1] =	stream.indirect_vreg.gather [hbm4b:s10+s18], $0x80, v19, vm0, $0xb8;
	[tilespmem:$0x1E080] =	vst v63  }
0x4f: {  	v63 =	vperm.xlane v17, v12;
	v19 =	vadd.s32 v3, v62;
	s9 =	simm.s32 $0x2C00  }
0x50: {  	[tilespmem:s9], [sflag:$0x1] =	stream.indirect_vreg.gather [hbm4b:s10+s18], $0x80, v60, vm0, $0xb8;
	[tilespmem:$0x1E080] =	vst v63  }
0x51: {  	v25 =	vperm.xlane v17, v13;
	v24 =	vadd.s32 v3, v63;
	s9 =	simm.s32 $0x2C80  }
0x52: {  	[tilespmem:s9], [sflag:$0x1] =	stream.indirect_vreg.gather [hbm4b:s10+s18], $0x80, v18, vm0, $0xb8;
	[tilespmem:$0x1E080] =	vst v63  }
0x53: {  	v26 =	vperm.xlane v17, v14;
	v18 =	vadd.s32 v3, v25;
	s9 =	simm.s32 $0x2D00  }
0x54: {  	[tilespmem:s9], [sflag:$0x1] =	stream.indirect_vreg.gather [hbm4b:s10+s18], $0x80, v19, vm0, $0xb8;
	[tilespmem:$0x1E080] =	vst v63  }
0x55: {  	v27 =	vperm.xlane v17, v15;
	v19 =	vadd.s32 v3, v26;
	s9 =	simm.s32 $0x2D80  }
0x56: {  	[tilespmem:s9], [sflag:$0x1] =	stream.indirect_vreg.gather [hbm4b:s10+s18], $0x80, v24, vm0, $0xb8;
	[tilespmem:$0x1E080] =	vst v63  }
0x57: {  	v17 =	vperm.xlane v17, v16;
	v28 =	vadd.s32 v3, v27;
	s9 =	simm.s32 $0x2E00  }
0x58: {  	[tilespmem:s9], [sflag:$0x1] =	stream.indirect_vreg.gather [hbm4b:s10+s18], $0x80, v18, vm0, $0xb8;
	[tilespmem:$0x1E080] =	vst v63  }
0x59: {  	v17 =	vadd.s32 v3, v17;
	s9 =	simm.s32 $0x2E80  }
0x5a: {  	[tilespmem:s9], [sflag:$0x1] =	stream.indirect_vreg.gather [hbm4b:s10+s18], $0x80, v19, vm0, $0xb8;
	[tilespmem:$0x1E080] =	vst v63  }
0x5b: {  	s9 =	simm.s32 $0x2F00  }
0x5c: {  	[tilespmem:s9], [sflag:$0x1] =	stream.indirect_vreg.gather [hbm4b:s10+s18], $0x80, v28, vm0, $0xb8;
	[tilespmem:$0x1E080] =	vst v63  }
0x5d: {  	s9 =	simm.s32 $0x2F80  }
0x5e: {  	[tilespmem:s9], [sflag:$0x1] =	stream.indirect_vreg.gather [hbm4b:s10+s18], $0x80, v17, vm0, $0xb8;
	[tilespmem:$0x1E080] =	vst v63  }
0x5f: {  	v17 =	vld [tilespmem:$0x10];
	_ =	sdelay $0x4  }
0x60: {  	v18 =	vshll.u32 v17, $0x1  }
0x61: {  	v17 =	vand.u32 $0x7, v17;
	v18 =	vand.u32 $0xFFFFFFF0, v18  }
0x62: {  	v17 =	vor.u32 v17, v18  }
0x63: {  	v18 =	vperm.xlane v17, v2;
	_ =	sdelay $0x1  }
0x64: {  	v19 =	vperm.xlane v17, v1;
	v18 =	vadd.s32 v3, v18;
	_ =	sdelay $0x1  }
0x65: {  	v29 =	vperm.xlane v17, v4;
	v19 =	vadd.s32 v3, v19;
	_ =	sdelay $0x1  }
0x66: {  	s9 =	simm.s32 $0x3000;
	v30 =	vperm.xlane v17, v5;
	v20 =	vadd.s32 v3, v29  }
0x67: {  	[tilespmem:s9], [sflag:$0x1] =	stream.indirect_vreg.gather [hbm4b:s10+s18], $0x80, v18, vm0, $0xb8;
	[tilespmem:$0x1E080] =	vst v63  }
0x68: {  	v31 =	vperm.xlane v17, v6;
	v18 =	vadd.s32 v3, v30;
	s9 =	simm.s32 $0x3080  }
0x69: {  	[tilespmem:s9], [sflag:$0x1] =	stream.indirect_vreg.gather [hbm4b:s10+s18], $0x80, v19, vm0, $0xb8;
	[tilespmem:$0x1E080] =	vst v63  }
0x6a: {  	v32 =	vperm.xlane v17, v7;
	v19 =	vadd.s32 v3, v31;
	s9 =	simm.s32 $0x3100  }
0x6b: {  	[tilespmem:s9], [sflag:$0x1] =	stream.indirect_vreg.gather [hbm4b:s10+s18], $0x80, v20, vm0, $0xb8;
	[tilespmem:$0x1E080] =	vst v63  }
0x6c: {  	v34 =	vperm.xlane v17, v8;
	v33 =	vadd.s32 v3, v32;
	s9 =	simm.s32 $0x3180  }
0x6d: {  	[tilespmem:s9], [sflag:$0x1] =	stream.indirect_vreg.gather [hbm4b:s10+s18], $0x80, v18, vm0, $0xb8;
	[tilespmem:$0x1E080] =	vst v63  }
0x6e: {  	v35 =	vperm.xlane v17, v0;
	v18 =	vadd.s32 v3, v34;
	s9 =	simm.s32 $0x3200  }
0x6f: {  	[tilespmem:s9], [sflag:$0x1] =	stream.indirect_vreg.gather [hbm4b:s10+s18], $0x80, v19, vm0, $0xb8;
	[tilespmem:$0x1E080] =	vst v63  }
0x70: {  	v36 =	vperm.xlane v17, v9;
	v19 =	vadd.s32 v3, v35;
	s9 =	simm.s32 $0x3280  }
0x71: {  	[tilespmem:s9], [sflag:$0x1] =	stream.indirect_vreg.gather [hbm4b:s10+s18], $0x80, v33, vm0, $0xb8;
	[tilespmem:$0x1E080] =	vst v63  }
0x72: {  	v38 =	vperm.xlane v17, v10;
	v37 =	vadd.s32 v3, v36;
	s9 =	simm.s32 $0x3300  }
0x73: {  	[tilespmem:s9], [sflag:$0x1] =	stream.indirect_vreg.gather [hbm4b:s10+s18], $0x80, v18, vm0, $0xb8;
	[tilespmem:$0x1E080] =	vst v63  }
0x74: {  	v39 =	vperm.xlane v17, v11;
	v18 =	vadd.s32 v3, v38;
	s9 =	simm.s32 $0x3380  }
0x75: {  	[tilespmem:s9], [sflag:$0x1] =	stream.indirect_vreg.gather [hbm4b:s10+s18], $0x80, v19, vm0, $0xb8;
	[tilespmem:$0x1E080] =	vst v63  }
0x76: {  	v40 =	vperm.xlane v17, v12;
	v19 =	vadd.s32 v3, v39;
	s9 =	simm.s32 $0x3400  }
0x77: {  	[tilespmem:s9], [sflag:$0x1] =	stream.indirect_vreg.gather [hbm4b:s10+s18], $0x80, v37, vm0, $0xb8;
	[tilespmem:$0x1E080] =	vst v63  }
0x78: {  	v42 =	vperm.xlane v17, v13;
	v41 =	vadd.s32 v3, v40;
	s9 =	simm.s32 $0x3480  }
0x79: {  	[tilespmem:s9], [sflag:$0x1] =	stream.indirect_vreg.gather [hbm4b:s10+s18], $0x80, v18, vm0, $0xb8;
	[tilespmem:$0x1E080] =	vst v63  }
0x7a: {  	v43 =	vperm.xlane v17, v14;
	v18 =	vadd.s32 v3, v42;
	s9 =	simm.s32 $0x3500  }
0x7b: {  	[tilespmem:s9], [sflag:$0x1] =	stream.indirect_vreg.gather [hbm4b:s10+s18], $0x80, v19, vm0, $0xb8;
	[tilespmem:$0x1E080] =	vst v63  }
0x7c: {  	v44 =	vperm.xlane v17, v15;
	v19 =	vadd.s32 v3, v43;
	s9 =	simm.s32 $0x3580  }
0x7d: {  	[tilespmem:s9], [sflag:$0x1] =	stream.indirect_vreg.gather [hbm4b:s10+s18], $0x80, v41, vm0, $0xb8;
	[tilespmem:$0x1E080] =	vst v63  }
0x7e: {  	v17 =	vperm.xlane v17, v16;
	v45 =	vadd.s32 v3, v44;
	s9 =	simm.s32 $0x3600  }
0x7f: {  	[tilespmem:s9], [sflag:$0x1] =	stream.indirect_vreg.gather [hbm4b:s10+s18], $0x80, v18, vm0, $0xb8;
	[tilespmem:$0x1E080] =	vst v63  }
0x80: {  	v17 =	vadd.s32 v3, v17;
	s9 =	simm.s32 $0x3680  }
0x81: {  	[tilespmem:s9], [sflag:$0x1] =	stream.indirect_vreg.gather [hbm4b:s10+s18], $0x80, v19, vm0, $0xb8;
	[tilespmem:$0x1E080] =	vst v63  }
0x82: {  	s9 =	simm.s32 $0x3700  }
0x83: {  	[tilespmem:s9], [sflag:$0x1] =	stream.indirect_vreg.gather [hbm4b:s10+s18], $0x80, v45, vm0, $0xb8;
	[tilespmem:$0x1E080] =	vst v63  }
0x84: {  	s9 =	simm.s32 $0x3780  }
0x85: {  	[tilespmem:s9], [sflag:$0x1] =	stream.indirect_vreg.gather [hbm4b:s10+s18], $0x80, v17, vm0, $0xb8;
	[tilespmem:$0x1E080] =	vst v63  }
0x86: {  	v17 =	vld [tilespmem:$0x20];
	_ =	sdelay $0x4  }
0x87: {  	v18 =	vshll.u32 v17, $0x1  }
0x88: {  	v17 =	vand.u32 $0x7, v17;
	v18 =	vand.u32 $0xFFFFFFF0, v18  }
0x89: {  	v17 =	vor.u32 v17, v18  }
0x8a: {  	v18 =	vperm.xlane v17, v2;
	_ =	sdelay $0x1  }
0x8b: {  	v19 =	vperm.xlane v17, v1;
	v18 =	vadd.s32 v3, v18;
	_ =	sdelay $0x1  }
0x8c: {  	v46 =	vperm.xlane v17, v4;
	v19 =	vadd.s32 v3, v19;
	_ =	sdelay $0x1  }
0x8d: {  	s9 =	simm.s32 $0x3800;
	v47 =	vperm.xlane v17, v5;
	v20 =	vadd.s32 v3, v46  }
0x8e: {  	[tilespmem:s9], [sflag:$0x1] =	stream.indirect_vreg.gather [hbm4b:s10+s18], $0x80, v18, vm0, $0xb8;
	[tilespmem:$0x1E080] =	vst v63  }
0x8f: {  	v48 =	vperm.xlane v17, v6;
	v18 =	vadd.s32 v3, v47;
	s9 =	simm.s32 $0x3880  }
0x90: {  	[tilespmem:s9], [sflag:$0x1] =	stream.indirect_vreg.gather [hbm4b:s10+s18], $0x80, v19, vm0, $0xb8;
	[tilespmem:$0x1E080] =	vst v63  }
0x91: {  	v49 =	vperm.xlane v17, v7;
	v19 =	vadd.s32 v3, v48;
	s9 =	simm.s32 $0x3900  }
0x92: {  	[tilespmem:s9], [sflag:$0x1] =	stream.indirect_vreg.gather [hbm4b:s10+s18], $0x80, v20, vm0, $0xb8;
	[tilespmem:$0x1E080] =	vst v63  }
0x93: {  	v51 =	vperm.xlane v17, v8;
	v50 =	vadd.s32 v3, v49;
	s9 =	simm.s32 $0x3980  }
0x94: {  	[tilespmem:s9], [sflag:$0x1] =	stream.indirect_vreg.gather [hbm4b:s10+s18], $0x80, v18, vm0, $0xb8;
	[tilespmem:$0x1E080] =	vst v63  }
0x95: {  	v52 =	vperm.xlane v17, v0;
	v18 =	vadd.s32 v3, v51;
	s9 =	simm.s32 $0x3A00  }
0x96: {  	[tilespmem:s9], [sflag:$0x1] =	stream.indirect_vreg.gather [hbm4b:s10+s18], $0x80, v19, vm0, $0xb8;
	[tilespmem:$0x1E080] =	vst v63  }
0x97: {  	v53 =	vperm.xlane v17, v9;
	v19 =	vadd.s32 v3, v52;
	s9 =	simm.s32 $0x3A80  }
0x98: {  	[tilespmem:s9], [sflag:$0x1] =	stream.indirect_vreg.gather [hbm4b:s10+s18], $0x80, v50, vm0, $0xb8;
	[tilespmem:$0x1E080] =	vst v63  }
0x99: {  	v55 =	vperm.xlane v17, v10;
	v54 =	vadd.s32 v3, v53;
	s9 =	simm.s32 $0x3B00  }
0x9a: {  	[tilespmem:s9], [sflag:$0x1] =	stream.indirect_vreg.gather [hbm4b:s10+s18], $0x80, v18, vm0, $0xb8;
	[tilespmem:$0x1E080] =	vst v63  }
0x9b: {  	v56 =	vperm.xlane v17, v11;
	v18 =	vadd.s32 v3, v55;
	s9 =	simm.s32 $0x3B80  }
0x9c: {  	[tilespmem:s9], [sflag:$0x1] =	stream.indirect_vreg.gather [hbm4b:s10+s18], $0x80, v19, vm0, $0xb8;
	[tilespmem:$0x1E080] =	vst v63  }
0x9d: {  	v57 =	vperm.xlane v17, v12;
	v19 =	vadd.s32 v3, v56;
	s9 =	simm.s32 $0x3C00  }
0x9e: {  	[tilespmem:s9], [sflag:$0x1] =	stream.indirect_vreg.gather [hbm4b:s10+s18], $0x80, v54, vm0, $0xb8;
	[tilespmem:$0x1E080] =	vst v63  }
0x9f: {  	v59 =	vperm.xlane v17, v13;
	v58 =	vadd.s32 v3, v57;
	s9 =	simm.s32 $0x3C80  }
0xa0: {  	[tilespmem:s9], [sflag:$0x1] =	stream.indirect_vreg.gather [hbm4b:s10+s18], $0x80, v18, vm0, $0xb8;
	[tilespmem:$0x1E080] =	vst v63  }
0xa1: {  	v60 =	vperm.xlane v17, v14;
	v18 =	vadd.s32 v3, v59;
	s9 =	simm.s32 $0x3D00  }
0xa2: {  	[tilespmem:s9], [sflag:$0x1] =	stream.indirect_vreg.gather [hbm4b:s10+s18], $0x80, v19, vm0, $0xb8;
	[tilespmem:$0x1E080] =	vst v63  }
0xa3: {  	v61 =	vperm.xlane v17, v15;
	v19 =	vadd.s32 v3, v60;
	s9 =	simm.s32 $0x3D80  }
0xa4: {  	[tilespmem:s9], [sflag:$0x1] =	stream.indirect_vreg.gather [hbm4b:s10+s18], $0x80, v58, vm0, $0xb8;
	[tilespmem:$0x1E080] =	vst v63  }
0xa5: {  	v17 =	vperm.xlane v17, v16;
	v62 =	vadd.s32 v3, v61;
	s9 =	simm.s32 $0x3E00  }
0xa6: {  	[tilespmem:s9], [sflag:$0x1] =	stream.indirect_vreg.gather [hbm4b:s10+s18], $0x80, v18, vm0, $0xb8;
	[tilespmem:$0x1E080] =	vst v63  }
0xa7: {  	v17 =	vadd.s32 v3, v17;
	s9 =	simm.s32 $0x3E80  }
0xa8: {  	[tilespmem:s9], [sflag:$0x1] =	stream.indirect_vreg.gather [hbm4b:s10+s18], $0x80, v19, vm0, $0xb8;
	[tilespmem:$0x1E080] =	vst v63  }
0xa9: {  	s9 =	simm.s32 $0x3F00  }
0xaa: {  	[tilespmem:s9], [sflag:$0x1] =	stream.indirect_vreg.gather [hbm4b:s10+s18], $0x80, v62, vm0, $0xb8;
	[tilespmem:$0x1E080] =	vst v63  }
0xab: {  	s9 =	simm.s32 $0x3F80  }
0xac: {  	[tilespmem:s9], [sflag:$0x1] =	stream.indirect_vreg.gather [hbm4b:s10+s18], $0x80, v17, vm0, $0xb8;
	[tilespmem:$0x1E080] =	vst v63  }
0xad: {  	v17 =	vld [tilespmem:$0x30];
	_ =	sdelay $0x4  }
0xae: {  	v18 =	vshll.u32 v17, $0x1  }
0xaf: {  	v17 =	vand.u32 $0x7, v17;
	v18 =	vand.u32 $0xFFFFFFF0, v18  }
0xb0: {  	v17 =	vor.u32 v17, v18  }
0xb1: {  	v18 =	vperm.xlane v17, v2;
	_ =	sdelay $0x1  }
0xb2: {  	v19 =	vperm.xlane v17, v1;
	v18 =	vadd.s32 v3, v18;
	_ =	sdelay $0x1  }
0xb3: {  	v63 =	vperm.xlane v17, v4;
	v19 =	vadd.s32 v3, v19;
	_ =	sdelay $0x1  }
0xb4: {  	s9 =	simm.s32 $0x4000;
	v24 =	vperm.xlane v17, v5;
	v20 =	vadd.s32 v3, v63  }
0xb5: {  	[tilespmem:s9], [sflag:$0x1] =	stream.indirect_vreg.gather [hbm4b:s10+s18], $0x80, v18, vm0, $0xb8;
	[tilespmem:$0x1E080] =	vst v63  }
0xb6: {  	v25 =	vperm.xlane v17, v6;
	v18 =	vadd.s32 v3, v24;
	s9 =	simm.s32 $0x4080  }
0xb7: {  	[tilespmem:s9], [sflag:$0x1] =	stream.indirect_vreg.gather [hbm4b:s10+s18], $0x80, v19, vm0, $0xb8;
	[tilespmem:$0x1E080] =	vst v63  }
0xb8: {  	v26 =	vperm.xlane v17, v7;
	v19 =	vadd.s32 v3, v25;
	s9 =	simm.s32 $0x4100  }
0xb9: {  	[tilespmem:s9], [sflag:$0x1] =	stream.indirect_vreg.gather [hbm4b:s10+s18], $0x80, v20, vm0, $0xb8;
	[tilespmem:$0x1E080] =	vst v63  }
0xba: {  	v28 =	vperm.xlane v17, v8;
	v27 =	vadd.s32 v3, v26;
	s9 =	simm.s32 $0x4180  }
0xbb: {  	[tilespmem:s9], [sflag:$0x1] =	stream.indirect_vreg.gather [hbm4b:s10+s18], $0x80, v18, vm0, $0xb8;
	[tilespmem:$0x1E080] =	vst v63  }
0xbc: {  	v29 =	vperm.xlane v17, v0;
	v18 =	vadd.s32 v3, v28;
	s9 =	simm.s32 $0x4200  }
0xbd: {  	[tilespmem:s9], [sflag:$0x1] =	stream.indirect_vreg.gather [hbm4b:s10+s18], $0x80, v19, vm0, $0xb8;
	[tilespmem:$0x1E080] =	vst v63  }
0xbe: {  	v30 =	vperm.xlane v17, v9;
	v19 =	vadd.s32 v3, v29;
	s9 =	simm.s32 $0x4280  }
0xbf: {  	[tilespmem:s9], [sflag:$0x1] =	stream.indirect_vreg.gather [hbm4b:s10+s18], $0x80, v27, vm0, $0xb8;
	[tilespmem:$0x1E080] =	vst v63  }
0xc0: {  	v32 =	vperm.xlane v17, v10;
	v31 =	vadd.s32 v3, v30;
	s9 =	simm.s32 $0x4300  }
0xc1: {  	[tilespmem:s9], [sflag:$0x1] =	stream.indirect_vreg.gather [hbm4b:s10+s18], $0x80, v18, vm0, $0xb8;
	[tilespmem:$0x1E080] =	vst v63  }
0xc2: {  	v33 =	vperm.xlane v17, v11;
	v18 =	vadd.s32 v3, v32;
	s9 =	simm.s32 $0x4380  }
0xc3: {  	[tilespmem:s9], [sflag:$0x1] =	stream.indirect_vreg.gather [hbm4b:s10+s18], $0x80, v19, vm0, $0xb8;
	[tilespmem:$0x1E080] =	vst v63  }
0xc4: {  	v34 =	vperm.xlane v17, v12;
	v19 =	vadd.s32 v3, v33;
	s9 =	simm.s32 $0x4400  }
0xc5: {  	[tilespmem:s9], [sflag:$0x1] =	stream.indirect_vreg.gather [hbm4b:s10+s18], $0x80, v31, vm0, $0xb8;
	[tilespmem:$0x1E080] =	vst v63  }
0xc6: {  	v36 =	vperm.xlane v17, v13;
	v35 =	vadd.s32 v3, v34;
	s9 =	simm.s32 $0x4480  }
0xc7: {  	[tilespmem:s9], [sflag:$0x1] =	stream.indirect_vreg.gather [hbm4b:s10+s18], $0x80, v18, vm0, $0xb8;
	[tilespmem:$0x1E080] =	vst v63  }
0xc8: {  	v37 =	vperm.xlane v17, v14;
	v18 =	vadd.s32 v3, v36;
	s9 =	simm.s32 $0x4500  }
0xc9: {  	[tilespmem:s9], [sflag:$0x1] =	stream.indirect_vreg.gather [hbm4b:s10+s18], $0x80, v19, vm0, $0xb8;
	[tilespmem:$0x1E080] =	vst v63  }
0xca: {  	v38 =	vperm.xlane v17, v15;
	v19 =	vadd.s32 v3, v37;
	s9 =	simm.s32 $0x4580  }
0xcb: {  	[tilespmem:s9], [sflag:$0x1] =	stream.indirect_vreg.gather [hbm4b:s10+s18], $0x80, v35, vm0, $0xb8;
	[tilespmem:$0x1E080] =	vst v63  }
0xcc: {  	v17 =	vperm.xlane v17, v16;
	v39 =	vadd.s32 v3, v38;
	s9 =	simm.s32 $0x4600  }
0xcd: {  	[tilespmem:s9], [sflag:$0x1] =	stream.indirect_vreg.gather [hbm4b:s10+s18], $0x80, v18, vm0, $0xb8;
	[tilespmem:$0x1E080] =	vst v63  }
0xce: {  	v17 =	vadd.s32 v3, v17;
	s9 =	simm.s32 $0x4680  }
0xcf: {  	[tilespmem:s9], [sflag:$0x1] =	stream.indirect_vreg.gather [hbm4b:s10+s18], $0x80, v19, vm0, $0xb8;
	[tilespmem:$0x1E080] =	vst v63  }
0xd0: {  	s9 =	simm.s32 $0x4700  }
0xd1: {  	[tilespmem:s9], [sflag:$0x1] =	stream.indirect_vreg.gather [hbm4b:s10+s18], $0x80, v39, vm0, $0xb8;
	[tilespmem:$0x1E080] =	vst v63  }
0xd2: {  	s9 =	simm.s32 $0x4780  }
0xd3: {  	[tilespmem:s9], [sflag:$0x1] =	stream.indirect_vreg.gather [hbm4b:s10+s18], $0x80, v17, vm0, $0xb8;
	[tilespmem:$0x1E080] =	vst v63  }
0xd4: {  	v17 =	vld [tilespmem:$0x40];
	_ =	sdelay $0x4  }
0xd5: {  	v18 =	vshll.u32 v17, $0x1  }
0xd6: {  	v17 =	vand.u32 $0x7, v17;
	v18 =	vand.u32 $0xFFFFFFF0, v18  }
0xd7: {  	v17 =	vor.u32 v17, v18  }
0xd8: {  	v18 =	vperm.xlane v17, v2;
	_ =	sdelay $0x1  }
0xd9: {  	v19 =	vperm.xlane v17, v1;
	v18 =	vadd.s32 v3, v18;
	_ =	sdelay $0x1  }
0xda: {  	v40 =	vperm.xlane v17, v4;
	v19 =	vadd.s32 v3, v19;
	_ =	sdelay $0x1  }
0xdb: {  	s9 =	simm.s32 $0x4800;
	v41 =	vperm.xlane v17, v5;
	v20 =	vadd.s32 v3, v40  }
0xdc: {  	[tilespmem:s9], [sflag:$0x1] =	stream.indirect_vreg.gather [hbm4b:s10+s18], $0x80, v18, vm0, $0xb8;
	[tilespmem:$0x1E080] =	vst v63  }
0xdd: {  	v42 =	vperm.xlane v17, v6;
	v18 =	vadd.s32 v3, v41;
	s9 =	simm.s32 $0x4880  }
0xde: {  	[tilespmem:s9], [sflag:$0x1] =	stream.indirect_vreg.gather [hbm4b:s10+s18], $0x80, v19, vm0, $0xb8;
	[tilespmem:$0x1E080] =	vst v63  }
0xdf: {  	v43 =	vperm.xlane v17, v7;
	v19 =	vadd.s32 v3, v42;
	s9 =	simm.s32 $0x4900  }
0xe0: {  	[tilespmem:s9], [sflag:$0x1] =	stream.indirect_vreg.gather [hbm4b:s10+s18], $0x80, v20, vm0, $0xb8;
	[tilespmem:$0x1E080] =	vst v63  }
0xe1: {  	v45 =	vperm.xlane v17, v8;
	v44 =	vadd.s32 v3, v43;
	s9 =	simm.s32 $0x4980  }
0xe2: {  	[tilespmem:s9], [sflag:$0x1] =	stream.indirect_vreg.gather [hbm4b:s10+s18], $0x80, v18, vm0, $0xb8;
	[tilespmem:$0x1E080] =	vst v63  }
0xe3: {  	v46 =	vperm.xlane v17, v0;
	v18 =	vadd.s32 v3, v45;
	s9 =	simm.s32 $0x4A00  }
0xe4: {  	[tilespmem:s9], [sflag:$0x1] =	stream.indirect_vreg.gather [hbm4b:s10+s18], $0x80, v19, vm0, $0xb8;
	[tilespmem:$0x1E080] =	vst v63  }
0xe5: {  	v47 =	vperm.xlane v17, v9;
	v19 =	vadd.s32 v3, v46;
	s9 =	simm.s32 $0x4A80  }
0xe6: {  	[tilespmem:s9], [sflag:$0x1] =	stream.indirect_vreg.gather [hbm4b:s10+s18], $0x80, v44, vm0, $0xb8;
	[tilespmem:$0x1E080] =	vst v63  }
0xe7: {  	v49 =	vperm.xlane v17, v10;
	v48 =	vadd.s32 v3, v47;
	s9 =	simm.s32 $0x4B00  }
0xe8: {  	[tilespmem:s9], [sflag:$0x1] =	stream.indirect_vreg.gather [hbm4b:s10+s18], $0x80, v18, vm0, $0xb8;
	[tilespmem:$0x1E080] =	vst v63  }
0xe9: {  	v50 =	vperm.xlane v17, v11;
	v18 =	vadd.s32 v3, v49;
	s9 =	simm.s32 $0x4B80  }
0xea: {  	[tilespmem:s9], [sflag:$0x1] =	stream.indirect_vreg.gather [hbm4b:s10+s18], $0x80, v19, vm0, $0xb8;
	[tilespmem:$0x1E080] =	vst v63  }
0xeb: {  	v51 =	vperm.xlane v17, v12;
	v19 =	vadd.s32 v3, v50;
	s9 =	simm.s32 $0x4C00  }
0xec: {  	[tilespmem:s9], [sflag:$0x1] =	stream.indirect_vreg.gather [hbm4b:s10+s18], $0x80, v48, vm0, $0xb8;
	[tilespmem:$0x1E080] =	vst v63  }
0xed: {  	v53 =	vperm.xlane v17, v13;
	v52 =	vadd.s32 v3, v51;
	s9 =	simm.s32 $0x4C80  }
0xee: {  	[tilespmem:s9], [sflag:$0x1] =	stream.indirect_vreg.gather [hbm4b:s10+s18], $0x80, v18, vm0, $0xb8;
	[tilespmem:$0x1E080] =	vst v63  }
0xef: {  	v54 =	vperm.xlane v17, v14;
	v18 =	vadd.s32 v3, v53;
	s9 =	simm.s32 $0x4D00  }
0xf0: {  	[tilespmem:s9], [sflag:$0x1] =	stream.indirect_vreg.gather [hbm4b:s10+s18], $0x80, v19, vm0, $0xb8;
	[tilespmem:$0x1E080] =	vst v63  }
0xf1: {  	v55 =	vperm.xlane v17, v15;
	v19 =	vadd.s32 v3, v54;
	s9 =	simm.s32 $0x4D80  }
0xf2: {  	[tilespmem:s9], [sflag:$0x1] =	stream.indirect_vreg.gather [hbm4b:s10+s18], $0x80, v52, vm0, $0xb8;
	[tilespmem:$0x1E080] =	vst v63  }
0xf3: {  	v17 =	vperm.xlane v17, v16;
	v56 =	vadd.s32 v3, v55;
	s9 =	simm.s32 $0x4E00  }
0xf4: {  	[tilespmem:s9], [sflag:$0x1] =	stream.indirect_vreg.gather [hbm4b:s10+s18], $0x80, v18, vm0, $0xb8;
	[tilespmem:$0x1E080] =	vst v63  }
0xf5: {  	v17 =	vadd.s32 v3, v17;
	s9 =	simm.s32 $0x4E80  }
0xf6: {  	[tilespmem:s9], [sflag:$0x1] =	stream.indirect_vreg.gather [hbm4b:s10+s18], $0x80, v19, vm0, $0xb8;
	[tilespmem:$0x1E080] =	vst v63  }
0xf7: {  	s9 =	simm.s32 $0x4F00  }
0xf8: {  	[tilespmem:s9], [sflag:$0x1] =	stream.indirect_vreg.gather [hbm4b:s10+s18], $0x80, v56, vm0, $0xb8;
	[tilespmem:$0x1E080] =	vst v63  }
0xf9: {  	s9 =	simm.s32 $0x4F80  }
0xfa: {  	[tilespmem:s9], [sflag:$0x1] =	stream.indirect_vreg.gather [hbm4b:s10+s18], $0x80, v17, vm0, $0xb8;
	[tilespmem:$0x1E080] =	vst v63  }
0xfb: {  	v17 =	vld [tilespmem:$0x50];
	_ =	sdelay $0x4  }
0xfc: {  	v18 =	vshll.u32 v17, $0x1  }
0xfd: {  	v17 =	vand.u32 $0x7, v17;
	v18 =	vand.u32 $0xFFFFFFF0, v18  }
0xfe: {  	v17 =	vor.u32 v17, v18  }
0xff: {  	v18 =	vperm.xlane v17, v2;
	_ =	sdelay $0x1  }
0x100: {  	v19 =	vperm.xlane v17, v1;
	v18 =	vadd.s32 v3, v18;
	_ =	sdelay $0x1  }
0x101: {  	v57 =	vperm.xlane v17, v4;
	v19 =	vadd.s32 v3, v19;
	_ =	sdelay $0x1  }
0x102: {  	s9 =	simm.s32 $0x5000;
	v58 =	vperm.xlane v17, v5;
	v20 =	vadd.s32 v3, v57  }
0x103: {  	[tilespmem:s9], [sflag:$0x1] =	stream.indirect_vreg.gather [hbm4b:s10+s18], $0x80, v18, vm0, $0xb8;
	[tilespmem:$0x1E080] =	vst v63  }
0x104: {  	v59 =	vperm.xlane v17, v6;
	v18 =	vadd.s32 v3, v58;
	s9 =	simm.s32 $0x5080  }
0x105: {  	[tilespmem:s9], [sflag:$0x1] =	stream.indirect_vreg.gather [hbm4b:s10+s18], $0x80, v19, vm0, $0xb8;
	[tilespmem:$0x1E080] =	vst v63  }
0x106: {  	v60 =	vperm.xlane v17, v7;
	v19 =	vadd.s32 v3, v59;
	s9 =	simm.s32 $0x5100  }
0x107: {  	[tilespmem:s9], [sflag:$0x1] =	stream.indirect_vreg.gather [hbm4b:s10+s18], $0x80, v20, vm0, $0xb8;
	[tilespmem:$0x1E080] =	vst v63  }
0x108: {  	v62 =	vperm.xlane v17, v8;
	v61 =	vadd.s32 v3, v60;
	s9 =	simm.s32 $0x5180  }
0x109: {  	[tilespmem:s9], [sflag:$0x1] =	stream.indirect_vreg.gather [hbm4b:s10+s18], $0x80, v18, vm0, $0xb8;
	[tilespmem:$0x1E080] =	vst v63  }
0x10a: {  	v63 =	vperm.xlane v17, v0;
	v18 =	vadd.s32 v3, v62;
	s9 =	simm.s32 $0x5200  }
0x10b: {  	[tilespmem:s9], [sflag:$0x1] =	stream.indirect_vreg.gather [hbm4b:s10+s18], $0x80, v19, vm0, $0xb8;
	[tilespmem:$0x1E080] =	vst v63  }
0x10c: {  	v24 =	vperm.xlane v17, v9;
	v19 =	vadd.s32 v3, v63;
	s9 =	simm.s32 $0x5280  }
0x10d: {  	[tilespmem:s9], [sflag:$0x1] =	stream.indirect_vreg.gather [hbm4b:s10+s18], $0x80, v61, vm0, $0xb8;
	[tilespmem:$0x1E080] =	vst v63  }
0x10e: {  	v26 =	vperm.xlane v17, v10;
	v25 =	vadd.s32 v3, v24;
	s9 =	simm.s32 $0x5300  }
0x10f: {  	[tilespmem:s9], [sflag:$0x1] =	stream.indirect_vreg.gather [hbm4b:s10+s18], $0x80, v18, vm0, $0xb8;
	[tilespmem:$0x1E080] =	vst v63  }
0x110: {  	v27 =	vperm.xlane v17, v11;
	v18 =	vadd.s32 v3, v26;
	s9 =	simm.s32 $0x5380  }
0x111: {  	[tilespmem:s9], [sflag:$0x1] =	stream.indirect_vreg.gather [hbm4b:s10+s18], $0x80, v19, vm0, $0xb8;
	[tilespmem:$0x1E080] =	vst v63  }
0x112: {  	v28 =	vperm.xlane v17, v12;
	v19 =	vadd.s32 v3, v27;
	s9 =	simm.s32 $0x5400  }
0x113: {  	[tilespmem:s9], [sflag:$0x1] =	stream.indirect_vreg.gather [hbm4b:s10+s18], $0x80, v25, vm0, $0xb8;
	[tilespmem:$0x1E080] =	vst v63  }
0x114: {  	v30 =	vperm.xlane v17, v13;
	v29 =	vadd.s32 v3, v28;
	s9 =	simm.s32 $0x5480  }
0x115: {  	[tilespmem:s9], [sflag:$0x1] =	stream.indirect_vreg.gather [hbm4b:s10+s18], $0x80, v18, vm0, $0xb8;
	[tilespmem:$0x1E080] =	vst v63  }
0x116: {  	v31 =	vperm.xlane v17, v14;
	v18 =	vadd.s32 v3, v30;
	s9 =	simm.s32 $0x5500  }
0x117: {  	[tilespmem:s9], [sflag:$0x1] =	stream.indirect_vreg.gather [hbm4b:s10+s18], $0x80, v19, vm0, $0xb8;
	[tilespmem:$0x1E080] =	vst v63  }
0x118: {  	v32 =	vperm.xlane v17, v15;
	v19 =	vadd.s32 v3, v31;
	s9 =	simm.s32 $0x5580  }
0x119: {  	[tilespmem:s9], [sflag:$0x1] =	stream.indirect_vreg.gather [hbm4b:s10+s18], $0x80, v29, vm0, $0xb8;
	[tilespmem:$0x1E080] =	vst v63  }
0x11a: {  	v17 =	vperm.xlane v17, v16;
	v33 =	vadd.s32 v3, v32;
	s9 =	simm.s32 $0x5600  }
0x11b: {  	[tilespmem:s9], [sflag:$0x1] =	stream.indirect_vreg.gather [hbm4b:s10+s18], $0x80, v18, vm0, $0xb8;
	[tilespmem:$0x1E080] =	vst v63  }
0x11c: {  	v17 =	vadd.s32 v3, v17;
	s9 =	simm.s32 $0x5680  }
0x11d: {  	[tilespmem:s9], [sflag:$0x1] =	stream.indirect_vreg.gather [hbm4b:s10+s18], $0x80, v19, vm0, $0xb8;
	[tilespmem:$0x1E080] =	vst v63  }
0x11e: {  	s9 =	simm.s32 $0x5700  }
0x11f: {  	[tilespmem:s9], [sflag:$0x1] =	stream.indirect_vreg.gather [hbm4b:s10+s18], $0x80, v33, vm0, $0xb8;
	[tilespmem:$0x1E080] =	vst v63  }
0x120: {  	s9 =	simm.s32 $0x5780  }
0x121: {  	[tilespmem:s9], [sflag:$0x1] =	stream.indirect_vreg.gather [hbm4b:s10+s18], $0x80, v17, vm0, $0xb8;
	[tilespmem:$0x1E080] =	vst v63  }
0x122: {  	v17 =	vld [tilespmem:$0x60];
	_ =	sdelay $0x4  }
0x123: {  	v18 =	vshll.u32 v17, $0x1  }
0x124: {  	v17 =	vand.u32 $0x7, v17;
	v18 =	vand.u32 $0xFFFFFFF0, v18  }
0x125: {  	v17 =	vor.u32 v17, v18  }
0x126: {  	v18 =	vperm.xlane v17, v2;
	_ =	sdelay $0x1  }
0x127: {  	v19 =	vperm.xlane v17, v1;
	v18 =	vadd.s32 v3, v18;
	_ =	sdelay $0x1  }
0x128: {  	v34 =	vperm.xlane v17, v4;
	v19 =	vadd.s32 v3, v19;
	_ =	sdelay $0x1  }
0x129: {  	s9 =	simm.s32 $0x5800;
	v35 =	vperm.xlane v17, v5;
	v20 =	vadd.s32 v3, v34  }
0x12a: {  	[tilespmem:s9], [sflag:$0x1] =	stream.indirect_vreg.gather [hbm4b:s10+s18], $0x80, v18, vm0, $0xb8;
	[tilespmem:$0x1E080] =	vst v63  }
0x12b: {  	v36 =	vperm.xlane v17, v6;
	v18 =	vadd.s32 v3, v35;
	s9 =	simm.s32 $0x5880  }
0x12c: {  	[tilespmem:s9], [sflag:$0x1] =	stream.indirect_vreg.gather [hbm4b:s10+s18], $0x80, v19, vm0, $0xb8;
	[tilespmem:$0x1E080] =	vst v63  }
0x12d: {  	v37 =	vperm.xlane v17, v7;
	v19 =	vadd.s32 v3, v36;
	s9 =	simm.s32 $0x5900  }
0x12e: {  	[tilespmem:s9], [sflag:$0x1] =	stream.indirect_vreg.gather [hbm4b:s10+s18], $0x80, v20, vm0, $0xb8;
	[tilespmem:$0x1E080] =	vst v63  }
0x12f: {  	v39 =	vperm.xlane v17, v8;
	v38 =	vadd.s32 v3, v37;
	s9 =	simm.s32 $0x5980  }
0x130: {  	[tilespmem:s9], [sflag:$0x1] =	stream.indirect_vreg.gather [hbm4b:s10+s18], $0x80, v18, vm0, $0xb8;
	[tilespmem:$0x1E080] =	vst v63  }
0x131: {  	v40 =	vperm.xlane v17, v0;
	v18 =	vadd.s32 v3, v39;
	s9 =	simm.s32 $0x5A00  }
0x132: {  	[tilespmem:s9], [sflag:$0x1] =	stream.indirect_vreg.gather [hbm4b:s10+s18], $0x80, v19, vm0, $0xb8;
	[tilespmem:$0x1E080] =	vst v63  }
0x133: {  	v41 =	vperm.xlane v17, v9;
	v19 =	vadd.s32 v3, v40;
	s9 =	simm.s32 $0x5A80  }
0x134: {  	[tilespmem:s9], [sflag:$0x1] =	stream.indirect_vreg.gather [hbm4b:s10+s18], $0x80, v38, vm0, $0xb8;
	[tilespmem:$0x1E080] =	vst v63  }
0x135: {  	v43 =	vperm.xlane v17, v10;
	v42 =	vadd.s32 v3, v41;
	s9 =	simm.s32 $0x5B00  }
0x136: {  	[tilespmem:s9], [sflag:$0x1] =	stream.indirect_vreg.gather [hbm4b:s10+s18], $0x80, v18, vm0, $0xb8;
	[tilespmem:$0x1E080] =	vst v63  }
0x137: {  	v44 =	vperm.xlane v17, v11;
	v18 =	vadd.s32 v3, v43;
	s9 =	simm.s32 $0x5B80  }
0x138: {  	[tilespmem:s9], [sflag:$0x1] =	stream.indirect_vreg.gather [hbm4b:s10+s18], $0x80, v19, vm0, $0xb8;
	[tilespmem:$0x1E080] =	vst v63  }
0x139: {  	v45 =	vperm.xlane v17, v12;
	v19 =	vadd.s32 v3, v44;
	s9 =	simm.s32 $0x5C00  }
0x13a: {  	[tilespmem:s9], [sflag:$0x1] =	stream.indirect_vreg.gather [hbm4b:s10+s18], $0x80, v42, vm0, $0xb8;
	[tilespmem:$0x1E080] =	vst v63  }
0x13b: {  	v47 =	vperm.xlane v17, v13;
	v46 =	vadd.s32 v3, v45;
	s9 =	simm.s32 $0x5C80  }
0x13c: {  	[tilespmem:s9], [sflag:$0x1] =	stream.indirect_vreg.gather [hbm4b:s10+s18], $0x80, v18, vm0, $0xb8;
	[tilespmem:$0x1E080] =	vst v63  }
0x13d: {  	v48 =	vperm.xlane v17, v14;
	v18 =	vadd.s32 v3, v47;
	s9 =	simm.s32 $0x5D00  }
0x13e: {  	[tilespmem:s9], [sflag:$0x1] =	stream.indirect_vreg.gather [hbm4b:s10+s18], $0x80, v19, vm0, $0xb8;
	[tilespmem:$0x1E080] =	vst v63  }
0x13f: {  	v49 =	vperm.xlane v17, v15;
	v19 =	vadd.s32 v3, v48;
	s9 =	simm.s32 $0x5D80  }
0x140: {  	[tilespmem:s9], [sflag:$0x1] =	stream.indirect_vreg.gather [hbm4b:s10+s18], $0x80, v46, vm0, $0xb8;
	[tilespmem:$0x1E080] =	vst v63  }
0x141: {  	v17 =	vperm.xlane v17, v16;
	v50 =	vadd.s32 v3, v49;
	s9 =	simm.s32 $0x5E00  }
0x142: {  	[tilespmem:s9], [sflag:$0x1] =	stream.indirect_vreg.gather [hbm4b:s10+s18], $0x80, v18, vm0, $0xb8;
	[tilespmem:$0x1E080] =	vst v63  }
0x143: {  	v17 =	vadd.s32 v3, v17;
	s9 =	simm.s32 $0x5E80  }
0x144: {  	[tilespmem:s9], [sflag:$0x1] =	stream.indirect_vreg.gather [hbm4b:s10+s18], $0x80, v19, vm0, $0xb8;
	[tilespmem:$0x1E080] =	vst v63  }
0x145: {  	s9 =	simm.s32 $0x5F00  }
0x146: {  	[tilespmem:s9], [sflag:$0x1] =	stream.indirect_vreg.gather [hbm4b:s10+s18], $0x80, v50, vm0, $0xb8;
	[tilespmem:$0x1E080] =	vst v63  }
0x147: {  	s9 =	simm.s32 $0x5F80  }
0x148: {  	[tilespmem:s9], [sflag:$0x1] =	stream.indirect_vreg.gather [hbm4b:s10+s18], $0x80, v17, vm0, $0xb8;
	[tilespmem:$0x1E080] =	vst v63  }
0x149: {  	v17 =	vld.msk [tilespmem:$0x70], $0x1fff;
	_ =	sdelay $0x4  }
0x14a: {  	v18 =	vshll.u32 v17, $0x1  }
0x14b: {  	v17 =	vand.u32 $0x7, v17;
	v18 =	vand.u32 $0xFFFFFFF0, v18  }
0x14c: {  	v17 =	vor.u32 v17, v18  }
0x14d: {  	v18 =	vperm.xlane v17, v2;
	_ =	sdelay $0x1  }
0x14e: {  	v19 =	vperm.xlane v17, v1;
	v18 =	vadd.s32 v3, v18;
	_ =	sdelay $0x1  }
0x14f: {  	v51 =	vperm.xlane v17, v4;
	v19 =	vadd.s32 v3, v19;
	_ =	sdelay $0x1  }
0x150: {  	s9 =	simm.s32 $0x6000;
	v52 =	vperm.xlane v17, v5;
	v20 =	vadd.s32 v3, v51  }
0x151: {  	[tilespmem:s9], [sflag:$0x1] =	stream.indirect_vreg.gather [hbm4b:s10+s18], $0x80, v18, vm0, $0xb8;
	[tilespmem:$0x1E080] =	vst v63  }
0x152: {  	v53 =	vperm.xlane v17, v6;
	v18 =	vadd.s32 v3, v52;
	s9 =	simm.s32 $0x6080  }
0x153: {  	[tilespmem:s9], [sflag:$0x1] =	stream.indirect_vreg.gather [hbm4b:s10+s18], $0x80, v19, vm0, $0xb8;
	[tilespmem:$0x1E080] =	vst v63  }
0x154: {  	v54 =	vperm.xlane v17, v7;
	v19 =	vadd.s32 v3, v53;
	s9 =	simm.s32 $0x6100  }
0x155: {  	[tilespmem:s9], [sflag:$0x1] =	stream.indirect_vreg.gather [hbm4b:s10+s18], $0x80, v20, vm0, $0xb8;
	[tilespmem:$0x1E080] =	vst v63  }
0x156: {  	v56 =	vperm.xlane v17, v8;
	v55 =	vadd.s32 v3, v54;
	s9 =	simm.s32 $0x6180  }
0x157: {  	[tilespmem:s9], [sflag:$0x1] =	stream.indirect_vreg.gather [hbm4b:s10+s18], $0x80, v18, vm0, $0xb8;
	[tilespmem:$0x1E080] =	vst v63  }
0x158: {  	v57 =	vperm.xlane v17, v0;
	v18 =	vadd.s32 v3, v56;
	s9 =	simm.s32 $0x6200  }
0x159: {  	[tilespmem:s9], [sflag:$0x1] =	stream.indirect_vreg.gather [hbm4b:s10+s18], $0x80, v19, vm0, $0xb8;
	[tilespmem:$0x1E080] =	vst v63  }
0x15a: {  	v58 =	vperm.xlane v17, v9;
	v19 =	vadd.s32 v3, v57;
	s9 =	simm.s32 $0x6280  }
0x15b: {  	[tilespmem:s9], [sflag:$0x1] =	stream.indirect_vreg.gather [hbm4b:s10+s18], $0x80, v55, vm0, $0xb8;
	[tilespmem:$0x1E080] =	vst v63  }
0x15c: {  	v60 =	vperm.xlane v17, v10;
	v59 =	vadd.s32 v3, v58;
	s9 =	simm.s32 $0x6300  }
0x15d: {  	[tilespmem:s9], [sflag:$0x1] =	stream.indirect_vreg.gather [hbm4b:s10+s18], $0x80, v18, vm0, $0xb8;
	[tilespmem:$0x1E080] =	vst v63  }
0x15e: {  	v61 =	vperm.xlane v17, v11;
	v18 =	vadd.s32 v3, v60;
	s9 =	simm.s32 $0x6380  }
0x15f: {  	[tilespmem:s9], [sflag:$0x1] =	stream.indirect_vreg.gather [hbm4b:s10+s18], $0x80, v19, vm0, $0xb8;
	[tilespmem:$0x1E080] =	vst v63  }
0x160: {  	v19 =	vadd.s32 v3, v61;
	s9 =	simm.s32 $0x6400  }
0x161: {  	v62 =	vperm.xlane v17, v12;
	[tilespmem:s9], [sflag:$0x1] =	stream.indirect_vreg.gather [hbm4b:s10+s18], $0x80, v59, vm0, $0xb8;
	[tilespmem:$0x1E080] =	vst v63  }
0x162: {  	s9 =	simm.s32 $0x6480  }
0x163: {  	v17 =	vperm.xlane v17, v13;
	v63 =	vadd.s32 v3, v62;
	[tilespmem:s9], [sflag:$0x1] =	stream.indirect_vreg.gather [hbm4b:s10+s18], $0x80, v18, vm0, $0xb8;
	[tilespmem:$0x1E080] =	vst v63  }
0x164: {  	s9 =	simm.s32 $0x6500  }
0x165: {  	v17 =	vadd.s32 v3, v17;
	[tilespmem:s9], [sflag:$0x1] =	stream.indirect_vreg.gather [hbm4b:s10+s18], $0x80, v19, vm0, $0xb8;
	[tilespmem:$0x1E080] =	vst v63  }
.Ltmp2:
0x166: {  	_ = 	snop;
	(pc) =	sbr.rel .LBB2_3-.Ltmp2, $4  }
0x167: {  	s9 =	simm.s32 $0x6580  }
0x168: {  	[tilespmem:s9], [sflag:$0x1] =	stream.indirect_vreg.gather [hbm4b:s10+s18], $0x80, v63, vm0, $0xb8;
	[tilespmem:$0x1E080] =	vst v63  }
0x169: {  	p1 =	por p2, p2;
	s9 =	simm.s32 $0x6600  }
0x16a: {  	[tilespmem:s9], [sflag:$0x1] =	stream.indirect_vreg.gather [hbm4b:s10+s18], $0x80, v17, vm0, $0xb8;
	[tilespmem:$0x1E080] =	vst v63  }
.LBB2_5:
0x16b: {  	_ =	swait.ge [sflag:s7], $0x3E80;
	s18 =	sadd.s32 $0x400, s18  }
0x16c: {  	[sflag:s7] =	ssyncset.done $0x0;
	p2 =	sne.s32 s18, $0x5000  }
.Ltmp3:
0x16d: {  	s8 =	sadd.s32 $0x1480, s8;
	[sflag:s7] =	ssyncadd.s32 $0xFFFFC180;
	(pc) =	sbr.rel @!p2 .LBB2_6-.Ltmp3, $4  }
0x16e: {  	[spmem:s2] =	stream.indirect.scatter.add.f32 [tilespmem:s17], [sflag:$0x3], $0x80, s8, s4, $0xb8;
	[tilespmem:$0x1E080] =	vst v63  }
0x16f: {  	_ =	swait.ge [sflag:s16], $0x3E80  }
0x170: {  	[sflag:s16] =	ssyncset.done $0x0  }
0x171: {  	[sflag:s16] =	ssyncadd.s32 $0xFFFFC180  }
.LBB2_3:
0x172: {  	s8 =	sshra.s32 s18, $0x2  }
0x173: {  	v17 =	vld [tilespmem:s8+$0x80];
	_ =	sdelay $0x4  }
0x174: {  	v18 =	vshll.u32 v17, $0x1  }
0x175: {  	v17 =	vand.u32 $0x7, v17;
	v18 =	vand.u32 $0xFFFFFFF0, v18  }
0x176: {  	v17 =	vor.u32 v17, v18  }
0x177: {  	v18 =	vperm.xlane v17, v2;
	_ =	sdelay $0x1  }
0x178: {  	v19 =	vperm.xlane v17, v1;
	v18 =	vadd.s32 v3, v18;
	_ =	sdelay $0x1  }
0x179: {  	v20 =	vperm.xlane v17, v4;
	v19 =	vadd.s32 v3, v19;
	_ =	sdelay $0x1  }
0x17a: {  	v21 =	vperm.xlane v17, v5;
	v20 =	vadd.s32 v3, v20  }
0x17b: {  	[tilespmem:s17], [sflag:$0x2] =	stream.indirect_vreg.gather [hbm4b:s10+s3], $0x80, v18, vm0, $0xb8;
	[tilespmem:$0x1E080] =	vst v63  }
0x17c: {  	s9 =	simm.s32 $0x6880;
	v54 =	vperm.xlane v17, v6;
	v18 =	vadd.s32 v3, v21  }
0x17d: {  	[tilespmem:s9], [sflag:$0x2] =	stream.indirect_vreg.gather [hbm4b:s10+s3], $0x80, v19, vm0, $0xb8;
	[tilespmem:$0x1E080] =	vst v63  }
0x17e: {  	v55 =	vperm.xlane v17, v7;
	v19 =	vadd.s32 v3, v54;
	s9 =	simm.s32 $0x6900  }
0x17f: {  	[tilespmem:s9], [sflag:$0x2] =	stream.indirect_vreg.gather [hbm4b:s10+s3], $0x80, v20, vm0, $0xb8;
	[tilespmem:$0x1E080] =	vst v63  }
0x180: {  	v57 =	vperm.xlane v17, v8;
	v56 =	vadd.s32 v3, v55;
	s9 =	simm.s32 $0x6980  }
0x181: {  	[tilespmem:s9], [sflag:$0x2] =	stream.indirect_vreg.gather [hbm4b:s10+s3], $0x80, v18, vm0, $0xb8;
	[tilespmem:$0x1E080] =	vst v63  }
0x182: {  	v58 =	vperm.xlane v17, v0;
	v18 =	vadd.s32 v3, v57;
	s9 =	simm.s32 $0x6A00  }
0x183: {  	[tilespmem:s9], [sflag:$0x2] =	stream.indirect_vreg.gather [hbm4b:s10+s3], $0x80, v19, vm0, $0xb8;
	[tilespmem:$0x1E080] =	vst v63  }
0x184: {  	v59 =	vperm.xlane v17, v9;
	v19 =	vadd.s32 v3, v58;
	s9 =	simm.s32 $0x6A80  }
0x185: {  	[tilespmem:s9], [sflag:$0x2] =	stream.indirect_vreg.gather [hbm4b:s10+s3], $0x80, v56, vm0, $0xb8;
	[tilespmem:$0x1E080] =	vst v63  }
0x186: {  	v61 =	vperm.xlane v17, v10;
	v60 =	vadd.s32 v3, v59;
	s9 =	simm.s32 $0x6B00  }
0x187: {  	[tilespmem:s9], [sflag:$0x2] =	stream.indirect_vreg.gather [hbm4b:s10+s3], $0x80, v18, vm0, $0xb8;
	[tilespmem:$0x1E080] =	vst v63  }
0x188: {  	v62 =	vperm.xlane v17, v11;
	v18 =	vadd.s32 v3, v61;
	s9 =	simm.s32 $0x6B80  }
0x189: {  	[tilespmem:s9], [sflag:$0x2] =	stream.indirect_vreg.gather [hbm4b:s10+s3], $0x80, v19, vm0, $0xb8;
	[tilespmem:$0x1E080] =	vst v63  }
0x18a: {  	v63 =	vperm.xlane v17, v12;
	v19 =	vadd.s32 v3, v62;
	s9 =	simm.s32 $0x6C00  }
0x18b: {  	[tilespmem:s9], [sflag:$0x2] =	stream.indirect_vreg.gather [hbm4b:s10+s3], $0x80, v60, vm0, $0xb8;
	[tilespmem:$0x1E080] =	vst v63  }
0x18c: {  	v25 =	vperm.xlane v17, v13;
	v24 =	vadd.s32 v3, v63;
	s9 =	simm.s32 $0x6C80  }
0x18d: {  	[tilespmem:s9], [sflag:$0x2] =	stream.indirect_vreg.gather [hbm4b:s10+s3], $0x80, v18, vm0, $0xb8;
	[tilespmem:$0x1E080] =	vst v63  }
0x18e: {  	v26 =	vperm.xlane v17, v14;
	v18 =	vadd.s32 v3, v25;
	s9 =	simm.s32 $0x6D00  }
0x18f: {  	[tilespmem:s9], [sflag:$0x2] =	stream.indirect_vreg.gather [hbm4b:s10+s3], $0x80, v19, vm0, $0xb8;
	[tilespmem:$0x1E080] =	vst v63  }
0x190: {  	v27 =	vperm.xlane v17, v15;
	v19 =	vadd.s32 v3, v26;
	s9 =	simm.s32 $0x6D80  }
0x191: {  	[tilespmem:s9], [sflag:$0x2] =	stream.indirect_vreg.gather [hbm4b:s10+s3], $0x80, v24, vm0, $0xb8;
	[tilespmem:$0x1E080] =	vst v63  }
0x192: {  	v17 =	vperm.xlane v17, v16;
	v28 =	vadd.s32 v3, v27;
	s9 =	simm.s32 $0x6E00  }
0x193: {  	[tilespmem:s9], [sflag:$0x2] =	stream.indirect_vreg.gather [hbm4b:s10+s3], $0x80, v18, vm0, $0xb8;
	[tilespmem:$0x1E080] =	vst v63  }
0x194: {  	v17 =	vadd.s32 v3, v17;
	s9 =	simm.s32 $0x6E80  }
0x195: {  	[tilespmem:s9], [sflag:$0x2] =	stream.indirect_vreg.gather [hbm4b:s10+s3], $0x80, v19, vm0, $0xb8;
	[tilespmem:$0x1E080] =	vst v63  }
0x196: {  	s9 =	simm.s32 $0x6F00  }
0x197: {  	[tilespmem:s9], [sflag:$0x2] =	stream.indirect_vreg.gather [hbm4b:s10+s3], $0x80, v28, vm0, $0xb8;
	[tilespmem:$0x1E080] =	vst v63  }
0x198: {  	s9 =	simm.s32 $0x6F80  }
0x199: {  	[tilespmem:s9], [sflag:$0x2] =	stream.indirect_vreg.gather [hbm4b:s10+s3], $0x80, v17, vm0, $0xb8;
	[tilespmem:$0x1E080] =	vst v63  }
0x19a: {  	v17 =	vld [tilespmem:s8+$0x90];
	_ =	sdelay $0x4  }
0x19b: {  	v18 =	vshll.u32 v17, $0x1  }
0x19c: {  	v17 =	vand.u32 $0x7, v17;
	v18 =	vand.u32 $0xFFFFFFF0, v18  }
0x19d: {  	v17 =	vor.u32 v17, v18  }
0x19e: {  	v18 =	vperm.xlane v17, v2;
	_ =	sdelay $0x1  }
0x19f: {  	v19 =	vperm.xlane v17, v1;
	v18 =	vadd.s32 v3, v18;
	_ =	sdelay $0x1  }
0x1a0: {  	v29 =	vperm.xlane v17, v4;
	v19 =	vadd.s32 v3, v19;
	_ =	sdelay $0x1  }
0x1a1: {  	s9 =	simm.s32 $0x7000;
	v30 =	vperm.xlane v17, v5;
	v20 =	vadd.s32 v3, v29  }
0x1a2: {  	[tilespmem:s9], [sflag:$0x2] =	stream.indirect_vreg.gather [hbm4b:s10+s3], $0x80, v18, vm0, $0xb8;
	[tilespmem:$0x1E080] =	vst v63  }
0x1a3: {  	v31 =	vperm.xlane v17, v6;
	v18 =	vadd.s32 v3, v30;
	s9 =	simm.s32 $0x7080  }
0x1a4: {  	[tilespmem:s9], [sflag:$0x2] =	stream.indirect_vreg.gather [hbm4b:s10+s3], $0x80, v19, vm0, $0xb8;
	[tilespmem:$0x1E080] =	vst v63  }
0x1a5: {  	v32 =	vperm.xlane v17, v7;
	v19 =	vadd.s32 v3, v31;
	s9 =	simm.s32 $0x7100  }
0x1a6: {  	[tilespmem:s9], [sflag:$0x2] =	stream.indirect_vreg.gather [hbm4b:s10+s3], $0x80, v20, vm0, $0xb8;
	[tilespmem:$0x1E080] =	vst v63  }
0x1a7: {  	v34 =	vperm.xlane v17, v8;
	v33 =	vadd.s32 v3, v32;
	s9 =	simm.s32 $0x7180  }
0x1a8: {  	[tilespmem:s9], [sflag:$0x2] =	stream.indirect_vreg.gather [hbm4b:s10+s3], $0x80, v18, vm0, $0xb8;
	[tilespmem:$0x1E080] =	vst v63  }
0x1a9: {  	v35 =	vperm.xlane v17, v0;
	v18 =	vadd.s32 v3, v34;
	s9 =	simm.s32 $0x7200  }
0x1aa: {  	[tilespmem:s9], [sflag:$0x2] =	stream.indirect_vreg.gather [hbm4b:s10+s3], $0x80, v19, vm0, $0xb8;
	[tilespmem:$0x1E080] =	vst v63  }
0x1ab: {  	v36 =	vperm.xlane v17, v9;
	v19 =	vadd.s32 v3, v35;
	s9 =	simm.s32 $0x7280  }
0x1ac: {  	[tilespmem:s9], [sflag:$0x2] =	stream.indirect_vreg.gather [hbm4b:s10+s3], $0x80, v33, vm0, $0xb8;
	[tilespmem:$0x1E080] =	vst v63  }
0x1ad: {  	v38 =	vperm.xlane v17, v10;
	v37 =	vadd.s32 v3, v36;
	s9 =	simm.s32 $0x7300  }
0x1ae: {  	[tilespmem:s9], [sflag:$0x2] =	stream.indirect_vreg.gather [hbm4b:s10+s3], $0x80, v18, vm0, $0xb8;
	[tilespmem:$0x1E080] =	vst v63  }
0x1af: {  	v39 =	vperm.xlane v17, v11;
	v18 =	vadd.s32 v3, v38;
	s9 =	simm.s32 $0x7380  }
0x1b0: {  	[tilespmem:s9], [sflag:$0x2] =	stream.indirect_vreg.gather [hbm4b:s10+s3], $0x80, v19, vm0, $0xb8;
	[tilespmem:$0x1E080] =	vst v63  }
0x1b1: {  	v40 =	vperm.xlane v17, v12;
	v19 =	vadd.s32 v3, v39;
	s9 =	simm.s32 $0x7400  }
0x1b2: {  	[tilespmem:s9], [sflag:$0x2] =	stream.indirect_vreg.gather [hbm4b:s10+s3], $0x80, v37, vm0, $0xb8;
	[tilespmem:$0x1E080] =	vst v63  }
0x1b3: {  	v42 =	vperm.xlane v17, v13;
	v41 =	vadd.s32 v3, v40;
	s9 =	simm.s32 $0x7480  }
0x1b4: {  	[tilespmem:s9], [sflag:$0x2] =	stream.indirect_vreg.gather [hbm4b:s10+s3], $0x80, v18, vm0, $0xb8;
	[tilespmem:$0x1E080] =	vst v63  }
0x1b5: {  	v43 =	vperm.xlane v17, v14;
	v18 =	vadd.s32 v3, v42;
	s9 =	simm.s32 $0x7500  }
0x1b6: {  	[tilespmem:s9], [sflag:$0x2] =	stream.indirect_vreg.gather [hbm4b:s10+s3], $0x80, v19, vm0, $0xb8;
	[tilespmem:$0x1E080] =	vst v63  }
0x1b7: {  	v44 =	vperm.xlane v17, v15;
	v19 =	vadd.s32 v3, v43;
	s9 =	simm.s32 $0x7580  }
0x1b8: {  	[tilespmem:s9], [sflag:$0x2] =	stream.indirect_vreg.gather [hbm4b:s10+s3], $0x80, v41, vm0, $0xb8;
	[tilespmem:$0x1E080] =	vst v63  }
0x1b9: {  	v17 =	vperm.xlane v17, v16;
	v45 =	vadd.s32 v3, v44;
	s9 =	simm.s32 $0x7600  }
0x1ba: {  	[tilespmem:s9], [sflag:$0x2] =	stream.indirect_vreg.gather [hbm4b:s10+s3], $0x80, v18, vm0, $0xb8;
	[tilespmem:$0x1E080] =	vst v63  }
0x1bb: {  	v17 =	vadd.s32 v3, v17;
	s9 =	simm.s32 $0x7680  }
0x1bc: {  	[tilespmem:s9], [sflag:$0x2] =	stream.indirect_vreg.gather [hbm4b:s10+s3], $0x80, v19, vm0, $0xb8;
	[tilespmem:$0x1E080] =	vst v63  }
0x1bd: {  	s9 =	simm.s32 $0x7700  }
0x1be: {  	[tilespmem:s9], [sflag:$0x2] =	stream.indirect_vreg.gather [hbm4b:s10+s3], $0x80, v45, vm0, $0xb8;
	[tilespmem:$0x1E080] =	vst v63  }
0x1bf: {  	s9 =	simm.s32 $0x7780  }
0x1c0: {  	[tilespmem:s9], [sflag:$0x2] =	stream.indirect_vreg.gather [hbm4b:s10+s3], $0x80, v17, vm0, $0xb8;
	[tilespmem:$0x1E080] =	vst v63  }
0x1c1: {  	v17 =	vld [tilespmem:s8+$0xA0];
	_ =	sdelay $0x4  }
0x1c2: {  	v18 =	vshll.u32 v17, $0x1  }
0x1c3: {  	v17 =	vand.u32 $0x7, v17;
	v18 =	vand.u32 $0xFFFFFFF0, v18  }
0x1c4: {  	v17 =	vor.u32 v17, v18  }
0x1c5: {  	v18 =	vperm.xlane v17, v2;
	_ =	sdelay $0x1  }
0x1c6: {  	v19 =	vperm.xlane v17, v1;
	v18 =	vadd.s32 v3, v18;
	_ =	sdelay $0x1  }
0x1c7: {  	v46 =	vperm.xlane v17, v4;
	v19 =	vadd.s32 v3, v19;
	_ =	sdelay $0x1  }
0x1c8: {  	s9 =	simm.s32 $0x7800;
	v47 =	vperm.xlane v17, v5;
	v20 =	vadd.s32 v3, v46  }
0x1c9: {  	[tilespmem:s9], [sflag:$0x2] =	stream.indirect_vreg.gather [hbm4b:s10+s3], $0x80, v18, vm0, $0xb8;
	[tilespmem:$0x1E080] =	vst v63  }
0x1ca: {  	v48 =	vperm.xlane v17, v6;
	v18 =	vadd.s32 v3, v47;
	s9 =	simm.s32 $0x7880  }
0x1cb: {  	[tilespmem:s9], [sflag:$0x2] =	stream.indirect_vreg.gather [hbm4b:s10+s3], $0x80, v19, vm0, $0xb8;
	[tilespmem:$0x1E080] =	vst v63  }
0x1cc: {  	v49 =	vperm.xlane v17, v7;
	v19 =	vadd.s32 v3, v48;
	s9 =	simm.s32 $0x7900  }
0x1cd: {  	[tilespmem:s9], [sflag:$0x2] =	stream.indirect_vreg.gather [hbm4b:s10+s3], $0x80, v20, vm0, $0xb8;
	[tilespmem:$0x1E080] =	vst v63  }
0x1ce: {  	v51 =	vperm.xlane v17, v8;
	v50 =	vadd.s32 v3, v49;
	s9 =	simm.s32 $0x7980  }
0x1cf: {  	[tilespmem:s9], [sflag:$0x2] =	stream.indirect_vreg.gather [hbm4b:s10+s3], $0x80, v18, vm0, $0xb8;
	[tilespmem:$0x1E080] =	vst v63  }
0x1d0: {  	v52 =	vperm.xlane v17, v0;
	v18 =	vadd.s32 v3, v51;
	s9 =	simm.s32 $0x7A00  }
0x1d1: {  	[tilespmem:s9], [sflag:$0x2] =	stream.indirect_vreg.gather [hbm4b:s10+s3], $0x80, v19, vm0, $0xb8;
	[tilespmem:$0x1E080] =	vst v63  }
0x1d2: {  	v53 =	vperm.xlane v17, v9;
	v19 =	vadd.s32 v3, v52;
	s9 =	simm.s32 $0x7A80  }
0x1d3: {  	[tilespmem:s9], [sflag:$0x2] =	stream.indirect_vreg.gather [hbm4b:s10+s3], $0x80, v50, vm0, $0xb8;
	[tilespmem:$0x1E080] =	vst v63  }
0x1d4: {  	v55 =	vperm.xlane v17, v10;
	v54 =	vadd.s32 v3, v53;
	s9 =	simm.s32 $0x7B00  }
0x1d5: {  	[tilespmem:s9], [sflag:$0x2] =	stream.indirect_vreg.gather [hbm4b:s10+s3], $0x80, v18, vm0, $0xb8;
	[tilespmem:$0x1E080] =	vst v63  }
0x1d6: {  	v56 =	vperm.xlane v17, v11;
	v18 =	vadd.s32 v3, v55;
	s9 =	simm.s32 $0x7B80  }
0x1d7: {  	[tilespmem:s9], [sflag:$0x2] =	stream.indirect_vreg.gather [hbm4b:s10+s3], $0x80, v19, vm0, $0xb8;
	[tilespmem:$0x1E080] =	vst v63  }
0x1d8: {  	v57 =	vperm.xlane v17, v12;
	v19 =	vadd.s32 v3, v56;
	s9 =	simm.s32 $0x7C00  }
0x1d9: {  	[tilespmem:s9], [sflag:$0x2] =	stream.indirect_vreg.gather [hbm4b:s10+s3], $0x80, v54, vm0, $0xb8;
	[tilespmem:$0x1E080] =	vst v63  }
0x1da: {  	v59 =	vperm.xlane v17, v13;
	v58 =	vadd.s32 v3, v57;
	s9 =	simm.s32 $0x7C80  }
0x1db: {  	[tilespmem:s9], [sflag:$0x2] =	stream.indirect_vreg.gather [hbm4b:s10+s3], $0x80, v18, vm0, $0xb8;
	[tilespmem:$0x1E080] =	vst v63  }
0x1dc: {  	v60 =	vperm.xlane v17, v14;
	v18 =	vadd.s32 v3, v59;
	s9 =	simm.s32 $0x7D00  }
0x1dd: {  	[tilespmem:s9], [sflag:$0x2] =	stream.indirect_vreg.gather [hbm4b:s10+s3], $0x80, v19, vm0, $0xb8;
	[tilespmem:$0x1E080] =	vst v63  }
0x1de: {  	v61 =	vperm.xlane v17, v15;
	v19 =	vadd.s32 v3, v60;
	s9 =	simm.s32 $0x7D80  }
0x1df: {  	[tilespmem:s9], [sflag:$0x2] =	stream.indirect_vreg.gather [hbm4b:s10+s3], $0x80, v58, vm0, $0xb8;
	[tilespmem:$0x1E080] =	vst v63  }
0x1e0: {  	v17 =	vperm.xlane v17, v16;
	v62 =	vadd.s32 v3, v61;
	s9 =	simm.s32 $0x7E00  }
0x1e1: {  	[tilespmem:s9], [sflag:$0x2] =	stream.indirect_vreg.gather [hbm4b:s10+s3], $0x80, v18, vm0, $0xb8;
	[tilespmem:$0x1E080] =	vst v63  }
0x1e2: {  	v17 =	vadd.s32 v3, v17;
	s9 =	simm.s32 $0x7E80  }
0x1e3: {  	[tilespmem:s9], [sflag:$0x2] =	stream.indirect_vreg.gather [hbm4b:s10+s3], $0x80, v19, vm0, $0xb8;
	[tilespmem:$0x1E080] =	vst v63  }
0x1e4: {  	s9 =	simm.s32 $0x7F00  }
0x1e5: {  	[tilespmem:s9], [sflag:$0x2] =	stream.indirect_vreg.gather [hbm4b:s10+s3], $0x80, v62, vm0, $0xb8;
	[tilespmem:$0x1E080] =	vst v63  }
0x1e6: {  	s9 =	simm.s32 $0x7F80  }
0x1e7: {  	[tilespmem:s9], [sflag:$0x2] =	stream.indirect_vreg.gather [hbm4b:s10+s3], $0x80, v17, vm0, $0xb8;
	[tilespmem:$0x1E080] =	vst v63  }
0x1e8: {  	v17 =	vld [tilespmem:s8+$0xB0];
	_ =	sdelay $0x4  }
0x1e9: {  	v18 =	vshll.u32 v17, $0x1  }
0x1ea: {  	v17 =	vand.u32 $0x7, v17;
	v18 =	vand.u32 $0xFFFFFFF0, v18  }
0x1eb: {  	v17 =	vor.u32 v17, v18  }
0x1ec: {  	v18 =	vperm.xlane v17, v2;
	_ =	sdelay $0x1  }
0x1ed: {  	v19 =	vperm.xlane v17, v1;
	v18 =	vadd.s32 v3, v18;
	_ =	sdelay $0x1  }
0x1ee: {  	v63 =	vperm.xlane v17, v4;
	v19 =	vadd.s32 v3, v19;
	_ =	sdelay $0x1  }
0x1ef: {  	s9 =	simm.s32 $0x8000;
	v24 =	vperm.xlane v17, v5;
	v20 =	vadd.s32 v3, v63  }
0x1f0: {  	[tilespmem:s9], [sflag:$0x2] =	stream.indirect_vreg.gather [hbm4b:s10+s3], $0x80, v18, vm0, $0xb8;
	[tilespmem:$0x1E080] =	vst v63  }
0x1f1: {  	v25 =	vperm.xlane v17, v6;
	v18 =	vadd.s32 v3, v24;
	s9 =	simm.s32 $0x8080  }
0x1f2: {  	[tilespmem:s9], [sflag:$0x2] =	stream.indirect_vreg.gather [hbm4b:s10+s3], $0x80, v19, vm0, $0xb8;
	[tilespmem:$0x1E080] =	vst v63  }
0x1f3: {  	v26 =	vperm.xlane v17, v7;
	v19 =	vadd.s32 v3, v25;
	s9 =	simm.s32 $0x8100  }
0x1f4: {  	[tilespmem:s9], [sflag:$0x2] =	stream.indirect_vreg.gather [hbm4b:s10+s3], $0x80, v20, vm0, $0xb8;
	[tilespmem:$0x1E080] =	vst v63  }
0x1f5: {  	v28 =	vperm.xlane v17, v8;
	v27 =	vadd.s32 v3, v26;
	s9 =	simm.s32 $0x8180  }
0x1f6: {  	[tilespmem:s9], [sflag:$0x2] =	stream.indirect_vreg.gather [hbm4b:s10+s3], $0x80, v18, vm0, $0xb8;
	[tilespmem:$0x1E080] =	vst v63  }
0x1f7: {  	v29 =	vperm.xlane v17, v0;
	v18 =	vadd.s32 v3, v28;
	s9 =	simm.s32 $0x8200  }
0x1f8: {  	[tilespmem:s9], [sflag:$0x2] =	stream.indirect_vreg.gather [hbm4b:s10+s3], $0x80, v19, vm0, $0xb8;
	[tilespmem:$0x1E080] =	vst v63  }
0x1f9: {  	v30 =	vperm.xlane v17, v9;
	v19 =	vadd.s32 v3, v29;
	s9 =	simm.s32 $0x8280  }
0x1fa: {  	[tilespmem:s9], [sflag:$0x2] =	stream.indirect_vreg.gather [hbm4b:s10+s3], $0x80, v27, vm0, $0xb8;
	[tilespmem:$0x1E080] =	vst v63  }
0x1fb: {  	v32 =	vperm.xlane v17, v10;
	v31 =	vadd.s32 v3, v30;
	s9 =	simm.s32 $0x8300  }
0x1fc: {  	[tilespmem:s9], [sflag:$0x2] =	stream.indirect_vreg.gather [hbm4b:s10+s3], $0x80, v18, vm0, $0xb8;
	[tilespmem:$0x1E080] =	vst v63  }
0x1fd: {  	v33 =	vperm.xlane v17, v11;
	v18 =	vadd.s32 v3, v32;
	s9 =	simm.s32 $0x8380  }
0x1fe: {  	[tilespmem:s9], [sflag:$0x2] =	stream.indirect_vreg.gather [hbm4b:s10+s3], $0x80, v19, vm0, $0xb8;
	[tilespmem:$0x1E080] =	vst v63  }
0x1ff: {  	v34 =	vperm.xlane v17, v12;
	v19 =	vadd.s32 v3, v33;
	s9 =	simm.s32 $0x8400  }
0x200: {  	[tilespmem:s9], [sflag:$0x2] =	stream.indirect_vreg.gather [hbm4b:s10+s3], $0x80, v31, vm0, $0xb8;
	[tilespmem:$0x1E080] =	vst v63  }
0x201: {  	v36 =	vperm.xlane v17, v13;
	v35 =	vadd.s32 v3, v34;
	s9 =	simm.s32 $0x8480  }
0x202: {  	[tilespmem:s9], [sflag:$0x2] =	stream.indirect_vreg.gather [hbm4b:s10+s3], $0x80, v18, vm0, $0xb8;
	[tilespmem:$0x1E080] =	vst v63  }
0x203: {  	v37 =	vperm.xlane v17, v14;
	v18 =	vadd.s32 v3, v36;
	s9 =	simm.s32 $0x8500  }
0x204: {  	[tilespmem:s9], [sflag:$0x2] =	stream.indirect_vreg.gather [hbm4b:s10+s3], $0x80, v19, vm0, $0xb8;
	[tilespmem:$0x1E080] =	vst v63  }
0x205: {  	v38 =	vperm.xlane v17, v15;
	v19 =	vadd.s32 v3, v37;
	s9 =	simm.s32 $0x8580  }
0x206: {  	[tilespmem:s9], [sflag:$0x2] =	stream.indirect_vreg.gather [hbm4b:s10+s3], $0x80, v35, vm0, $0xb8;
	[tilespmem:$0x1E080] =	vst v63  }
0x207: {  	v17 =	vperm.xlane v17, v16;
	v39 =	vadd.s32 v3, v38;
	s9 =	simm.s32 $0x8600  }
0x208: {  	[tilespmem:s9], [sflag:$0x2] =	stream.indirect_vreg.gather [hbm4b:s10+s3], $0x80, v18, vm0, $0xb8;
	[tilespmem:$0x1E080] =	vst v63  }
0x209: {  	v17 =	vadd.s32 v3, v17;
	s9 =	simm.s32 $0x8680  }
0x20a: {  	[tilespmem:s9], [sflag:$0x2] =	stream.indirect_vreg.gather [hbm4b:s10+s3], $0x80, v19, vm0, $0xb8;
	[tilespmem:$0x1E080] =	vst v63  }
0x20b: {  	s9 =	simm.s32 $0x8700  }
0x20c: {  	[tilespmem:s9], [sflag:$0x2] =	stream.indirect_vreg.gather [hbm4b:s10+s3], $0x80, v39, vm0, $0xb8;
	[tilespmem:$0x1E080] =	vst v63  }
0x20d: {  	s9 =	simm.s32 $0x8780  }
0x20e: {  	[tilespmem:s9], [sflag:$0x2] =	stream.indirect_vreg.gather [hbm4b:s10+s3], $0x80, v17, vm0, $0xb8;
	[tilespmem:$0x1E080] =	vst v63  }
0x20f: {  	v17 =	vld [tilespmem:s8+$0xC0];
	_ =	sdelay $0x4  }
0x210: {  	v18 =	vshll.u32 v17, $0x1  }
0x211: {  	v17 =	vand.u32 $0x7, v17;
	v18 =	vand.u32 $0xFFFFFFF0, v18  }
0x212: {  	v17 =	vor.u32 v17, v18  }
0x213: {  	v18 =	vperm.xlane v17, v2;
	_ =	sdelay $0x1  }
0x214: {  	v19 =	vperm.xlane v17, v1;
	v18 =	vadd.s32 v3, v18;
	_ =	sdelay $0x1  }
0x215: {  	v40 =	vperm.xlane v17, v4;
	v19 =	vadd.s32 v3, v19;
	_ =	sdelay $0x1  }
0x216: {  	s9 =	simm.s32 $0x8800;
	v41 =	vperm.xlane v17, v5;
	v20 =	vadd.s32 v3, v40  }
0x217: {  	[tilespmem:s9], [sflag:$0x2] =	stream.indirect_vreg.gather [hbm4b:s10+s3], $0x80, v18, vm0, $0xb8;
	[tilespmem:$0x1E080] =	vst v63  }
0x218: {  	v42 =	vperm.xlane v17, v6;
	v18 =	vadd.s32 v3, v41;
	s9 =	simm.s32 $0x8880  }
0x219: {  	[tilespmem:s9], [sflag:$0x2] =	stream.indirect_vreg.gather [hbm4b:s10+s3], $0x80, v19, vm0, $0xb8;
	[tilespmem:$0x1E080] =	vst v63  }
0x21a: {  	v43 =	vperm.xlane v17, v7;
	v19 =	vadd.s32 v3, v42;
	s9 =	simm.s32 $0x8900  }
0x21b: {  	[tilespmem:s9], [sflag:$0x2] =	stream.indirect_vreg.gather [hbm4b:s10+s3], $0x80, v20, vm0, $0xb8;
	[tilespmem:$0x1E080] =	vst v63  }
0x21c: {  	v45 =	vperm.xlane v17, v8;
	v44 =	vadd.s32 v3, v43;
	s9 =	simm.s32 $0x8980  }
0x21d: {  	[tilespmem:s9], [sflag:$0x2] =	stream.indirect_vreg.gather [hbm4b:s10+s3], $0x80, v18, vm0, $0xb8;
	[tilespmem:$0x1E080] =	vst v63  }
0x21e: {  	v46 =	vperm.xlane v17, v0;
	v18 =	vadd.s32 v3, v45;
	s9 =	simm.s32 $0x8A00  }
0x21f: {  	[tilespmem:s9], [sflag:$0x2] =	stream.indirect_vreg.gather [hbm4b:s10+s3], $0x80, v19, vm0, $0xb8;
	[tilespmem:$0x1E080] =	vst v63  }
0x220: {  	v47 =	vperm.xlane v17, v9;
	v19 =	vadd.s32 v3, v46;
	s9 =	simm.s32 $0x8A80  }
0x221: {  	[tilespmem:s9], [sflag:$0x2] =	stream.indirect_vreg.gather [hbm4b:s10+s3], $0x80, v44, vm0, $0xb8;
	[tilespmem:$0x1E080] =	vst v63  }
0x222: {  	v49 =	vperm.xlane v17, v10;
	v48 =	vadd.s32 v3, v47;
	s9 =	simm.s32 $0x8B00  }
0x223: {  	[tilespmem:s9], [sflag:$0x2] =	stream.indirect_vreg.gather [hbm4b:s10+s3], $0x80, v18, vm0, $0xb8;
	[tilespmem:$0x1E080] =	vst v63  }
0x224: {  	v50 =	vperm.xlane v17, v11;
	v18 =	vadd.s32 v3, v49;
	s9 =	simm.s32 $0x8B80  }
0x225: {  	[tilespmem:s9], [sflag:$0x2] =	stream.indirect_vreg.gather [hbm4b:s10+s3], $0x80, v19, vm0, $0xb8;
	[tilespmem:$0x1E080] =	vst v63  }
0x226: {  	v51 =	vperm.xlane v17, v12;
	v19 =	vadd.s32 v3, v50;
	s9 =	simm.s32 $0x8C00  }
0x227: {  	[tilespmem:s9], [sflag:$0x2] =	stream.indirect_vreg.gather [hbm4b:s10+s3], $0x80, v48, vm0, $0xb8;
	[tilespmem:$0x1E080] =	vst v63  }
0x228: {  	v53 =	vperm.xlane v17, v13;
	v52 =	vadd.s32 v3, v51;
	s9 =	simm.s32 $0x8C80  }
0x229: {  	[tilespmem:s9], [sflag:$0x2] =	stream.indirect_vreg.gather [hbm4b:s10+s3], $0x80, v18, vm0, $0xb8;
	[tilespmem:$0x1E080] =	vst v63  }
0x22a: {  	v54 =	vperm.xlane v17, v14;
	v18 =	vadd.s32 v3, v53;
	s9 =	simm.s32 $0x8D00  }
0x22b: {  	[tilespmem:s9], [sflag:$0x2] =	stream.indirect_vreg.gather [hbm4b:s10+s3], $0x80, v19, vm0, $0xb8;
	[tilespmem:$0x1E080] =	vst v63  }
0x22c: {  	v55 =	vperm.xlane v17, v15;
	v19 =	vadd.s32 v3, v54;
	s9 =	simm.s32 $0x8D80  }
0x22d: {  	[tilespmem:s9], [sflag:$0x2] =	stream.indirect_vreg.gather [hbm4b:s10+s3], $0x80, v52, vm0, $0xb8;
	[tilespmem:$0x1E080] =	vst v63  }
0x22e: {  	v17 =	vperm.xlane v17, v16;
	v56 =	vadd.s32 v3, v55;
	s9 =	simm.s32 $0x8E00  }
0x22f: {  	[tilespmem:s9], [sflag:$0x2] =	stream.indirect_vreg.gather [hbm4b:s10+s3], $0x80, v18, vm0, $0xb8;
	[tilespmem:$0x1E080] =	vst v63  }
0x230: {  	v17 =	vadd.s32 v3, v17;
	s9 =	simm.s32 $0x8E80  }
0x231: {  	[tilespmem:s9], [sflag:$0x2] =	stream.indirect_vreg.gather [hbm4b:s10+s3], $0x80, v19, vm0, $0xb8;
	[tilespmem:$0x1E080] =	vst v63  }
0x232: {  	s9 =	simm.s32 $0x8F00  }
0x233: {  	[tilespmem:s9], [sflag:$0x2] =	stream.indirect_vreg.gather [hbm4b:s10+s3], $0x80, v56, vm0, $0xb8;
	[tilespmem:$0x1E080] =	vst v63  }
0x234: {  	s9 =	simm.s32 $0x8F80  }
0x235: {  	[tilespmem:s9], [sflag:$0x2] =	stream.indirect_vreg.gather [hbm4b:s10+s3], $0x80, v17, vm0, $0xb8;
	[tilespmem:$0x1E080] =	vst v63  }
0x236: {  	v17 =	vld [tilespmem:s8+$0xD0];
	_ =	sdelay $0x4  }
0x237: {  	v18 =	vshll.u32 v17, $0x1  }
0x238: {  	v17 =	vand.u32 $0x7, v17;
	v18 =	vand.u32 $0xFFFFFFF0, v18  }
0x239: {  	v17 =	vor.u32 v17, v18  }
0x23a: {  	v18 =	vperm.xlane v17, v2;
	_ =	sdelay $0x1  }
0x23b: {  	v19 =	vperm.xlane v17, v1;
	v18 =	vadd.s32 v3, v18;
	_ =	sdelay $0x1  }
0x23c: {  	v57 =	vperm.xlane v17, v4;
	v19 =	vadd.s32 v3, v19;
	_ =	sdelay $0x1  }
0x23d: {  	s9 =	simm.s32 $0x9000;
	v58 =	vperm.xlane v17, v5;
	v20 =	vadd.s32 v3, v57  }
0x23e: {  	[tilespmem:s9], [sflag:$0x2] =	stream.indirect_vreg.gather [hbm4b:s10+s3], $0x80, v18, vm0, $0xb8;
	[tilespmem:$0x1E080] =	vst v63  }
0x23f: {  	v59 =	vperm.xlane v17, v6;
	v18 =	vadd.s32 v3, v58;
	s9 =	simm.s32 $0x9080  }
0x240: {  	[tilespmem:s9], [sflag:$0x2] =	stream.indirect_vreg.gather [hbm4b:s10+s3], $0x80, v19, vm0, $0xb8;
	[tilespmem:$0x1E080] =	vst v63  }
0x241: {  	v60 =	vperm.xlane v17, v7;
	v19 =	vadd.s32 v3, v59;
	s9 =	simm.s32 $0x9100  }
0x242: {  	[tilespmem:s9], [sflag:$0x2] =	stream.indirect_vreg.gather [hbm4b:s10+s3], $0x80, v20, vm0, $0xb8;
	[tilespmem:$0x1E080] =	vst v63  }
0x243: {  	v62 =	vperm.xlane v17, v8;
	v61 =	vadd.s32 v3, v60;
	s9 =	simm.s32 $0x9180  }
0x244: {  	[tilespmem:s9], [sflag:$0x2] =	stream.indirect_vreg.gather [hbm4b:s10+s3], $0x80, v18, vm0, $0xb8;
	[tilespmem:$0x1E080] =	vst v63  }
0x245: {  	v63 =	vperm.xlane v17, v0;
	v18 =	vadd.s32 v3, v62;
	s9 =	simm.s32 $0x9200  }
0x246: {  	[tilespmem:s9], [sflag:$0x2] =	stream.indirect_vreg.gather [hbm4b:s10+s3], $0x80, v19, vm0, $0xb8;
	[tilespmem:$0x1E080] =	vst v63  }
0x247: {  	v24 =	vperm.xlane v17, v9;
	v19 =	vadd.s32 v3, v63;
	s9 =	simm.s32 $0x9280  }
0x248: {  	[tilespmem:s9], [sflag:$0x2] =	stream.indirect_vreg.gather [hbm4b:s10+s3], $0x80, v61, vm0, $0xb8;
	[tilespmem:$0x1E080] =	vst v63  }
0x249: {  	v26 =	vperm.xlane v17, v10;
	v25 =	vadd.s32 v3, v24;
	s9 =	simm.s32 $0x9300  }
0x24a: {  	[tilespmem:s9], [sflag:$0x2] =	stream.indirect_vreg.gather [hbm4b:s10+s3], $0x80, v18, vm0, $0xb8;
	[tilespmem:$0x1E080] =	vst v63  }
0x24b: {  	v27 =	vperm.xlane v17, v11;
	v18 =	vadd.s32 v3, v26;
	s9 =	simm.s32 $0x9380  }
0x24c: {  	[tilespmem:s9], [sflag:$0x2] =	stream.indirect_vreg.gather [hbm4b:s10+s3], $0x80, v19, vm0, $0xb8;
	[tilespmem:$0x1E080] =	vst v63  }
0x24d: {  	v28 =	vperm.xlane v17, v12;
	v19 =	vadd.s32 v3, v27;
	s9 =	simm.s32 $0x9400  }
0x24e: {  	[tilespmem:s9], [sflag:$0x2] =	stream.indirect_vreg.gather [hbm4b:s10+s3], $0x80, v25, vm0, $0xb8;
	[tilespmem:$0x1E080] =	vst v63  }
0x24f: {  	v30 =	vperm.xlane v17, v13;
	v29 =	vadd.s32 v3, v28;
	s9 =	simm.s32 $0x9480  }
0x250: {  	[tilespmem:s9], [sflag:$0x2] =	stream.indirect_vreg.gather [hbm4b:s10+s3], $0x80, v18, vm0, $0xb8;
	[tilespmem:$0x1E080] =	vst v63  }
0x251: {  	v31 =	vperm.xlane v17, v14;
	v18 =	vadd.s32 v3, v30;
	s9 =	simm.s32 $0x9500  }
0x252: {  	[tilespmem:s9], [sflag:$0x2] =	stream.indirect_vreg.gather [hbm4b:s10+s3], $0x80, v19, vm0, $0xb8;
	[tilespmem:$0x1E080] =	vst v63  }
0x253: {  	v32 =	vperm.xlane v17, v15;
	v19 =	vadd.s32 v3, v31;
	s9 =	simm.s32 $0x9580  }
0x254: {  	[tilespmem:s9], [sflag:$0x2] =	stream.indirect_vreg.gather [hbm4b:s10+s3], $0x80, v29, vm0, $0xb8;
	[tilespmem:$0x1E080] =	vst v63  }
0x255: {  	v17 =	vperm.xlane v17, v16;
	v33 =	vadd.s32 v3, v32;
	s9 =	simm.s32 $0x9600  }
0x256: {  	[tilespmem:s9], [sflag:$0x2] =	stream.indirect_vreg.gather [hbm4b:s10+s3], $0x80, v18, vm0, $0xb8;
	[tilespmem:$0x1E080] =	vst v63  }
0x257: {  	v17 =	vadd.s32 v3, v17;
	s9 =	simm.s32 $0x9680  }
0x258: {  	[tilespmem:s9], [sflag:$0x2] =	stream.indirect_vreg.gather [hbm4b:s10+s3], $0x80, v19, vm0, $0xb8;
	[tilespmem:$0x1E080] =	vst v63  }
0x259: {  	s9 =	simm.s32 $0x9700  }
0x25a: {  	[tilespmem:s9], [sflag:$0x2] =	stream.indirect_vreg.gather [hbm4b:s10+s3], $0x80, v33, vm0, $0xb8;
	[tilespmem:$0x1E080] =	vst v63  }
0x25b: {  	s9 =	simm.s32 $0x9780  }
0x25c: {  	[tilespmem:s9], [sflag:$0x2] =	stream.indirect_vreg.gather [hbm4b:s10+s3], $0x80, v17, vm0, $0xb8;
	[tilespmem:$0x1E080] =	vst v63  }
0x25d: {  	v17 =	vld [tilespmem:s8+$0xE0];
	_ =	sdelay $0x4  }
0x25e: {  	v18 =	vshll.u32 v17, $0x1  }
0x25f: {  	v17 =	vand.u32 $0x7, v17;
	v18 =	vand.u32 $0xFFFFFFF0, v18  }
0x260: {  	v17 =	vor.u32 v17, v18  }
0x261: {  	v18 =	vperm.xlane v17, v2;
	_ =	sdelay $0x1  }
0x262: {  	v19 =	vperm.xlane v17, v1;
	v18 =	vadd.s32 v3, v18;
	_ =	sdelay $0x1  }
0x263: {  	v34 =	vperm.xlane v17, v4;
	v19 =	vadd.s32 v3, v19;
	_ =	sdelay $0x1  }
0x264: {  	s9 =	simm.s32 $0x9800;
	v35 =	vperm.xlane v17, v5;
	v20 =	vadd.s32 v3, v34  }
0x265: {  	[tilespmem:s9], [sflag:$0x2] =	stream.indirect_vreg.gather [hbm4b:s10+s3], $0x80, v18, vm0, $0xb8;
	[tilespmem:$0x1E080] =	vst v63  }
0x266: {  	v36 =	vperm.xlane v17, v6;
	v18 =	vadd.s32 v3, v35;
	s9 =	simm.s32 $0x9880  }
0x267: {  	[tilespmem:s9], [sflag:$0x2] =	stream.indirect_vreg.gather [hbm4b:s10+s3], $0x80, v19, vm0, $0xb8;
	[tilespmem:$0x1E080] =	vst v63  }
0x268: {  	v37 =	vperm.xlane v17, v7;
	v19 =	vadd.s32 v3, v36;
	s9 =	simm.s32 $0x9900  }
0x269: {  	[tilespmem:s9], [sflag:$0x2] =	stream.indirect_vreg.gather [hbm4b:s10+s3], $0x80, v20, vm0, $0xb8;
	[tilespmem:$0x1E080] =	vst v63  }
0x26a: {  	v39 =	vperm.xlane v17, v8;
	v38 =	vadd.s32 v3, v37;
	s9 =	simm.s32 $0x9980  }
0x26b: {  	[tilespmem:s9], [sflag:$0x2] =	stream.indirect_vreg.gather [hbm4b:s10+s3], $0x80, v18, vm0, $0xb8;
	[tilespmem:$0x1E080] =	vst v63  }
0x26c: {  	v40 =	vperm.xlane v17, v0;
	v18 =	vadd.s32 v3, v39;
	s9 =	simm.s32 $0x9A00  }
0x26d: {  	[tilespmem:s9], [sflag:$0x2] =	stream.indirect_vreg.gather [hbm4b:s10+s3], $0x80, v19, vm0, $0xb8;
	[tilespmem:$0x1E080] =	vst v63  }
0x26e: {  	v41 =	vperm.xlane v17, v9;
	v19 =	vadd.s32 v3, v40;
	s9 =	simm.s32 $0x9A80  }
0x26f: {  	[tilespmem:s9], [sflag:$0x2] =	stream.indirect_vreg.gather [hbm4b:s10+s3], $0x80, v38, vm0, $0xb8;
	[tilespmem:$0x1E080] =	vst v63  }
0x270: {  	v43 =	vperm.xlane v17, v10;
	v42 =	vadd.s32 v3, v41;
	s9 =	simm.s32 $0x9B00  }
0x271: {  	[tilespmem:s9], [sflag:$0x2] =	stream.indirect_vreg.gather [hbm4b:s10+s3], $0x80, v18, vm0, $0xb8;
	[tilespmem:$0x1E080] =	vst v63  }
0x272: {  	v44 =	vperm.xlane v17, v11;
	v18 =	vadd.s32 v3, v43;
	s9 =	simm.s32 $0x9B80  }
0x273: {  	[tilespmem:s9], [sflag:$0x2] =	stream.indirect_vreg.gather [hbm4b:s10+s3], $0x80, v19, vm0, $0xb8;
	[tilespmem:$0x1E080] =	vst v63  }
0x274: {  	v45 =	vperm.xlane v17, v12;
	v19 =	vadd.s32 v3, v44;
	s9 =	simm.s32 $0x9C00  }
0x275: {  	[tilespmem:s9], [sflag:$0x2] =	stream.indirect_vreg.gather [hbm4b:s10+s3], $0x80, v42, vm0, $0xb8;
	[tilespmem:$0x1E080] =	vst v63  }
0x276: {  	v47 =	vperm.xlane v17, v13;
	v46 =	vadd.s32 v3, v45;
	s9 =	simm.s32 $0x9C80  }
0x277: {  	[tilespmem:s9], [sflag:$0x2] =	stream.indirect_vreg.gather [hbm4b:s10+s3], $0x80, v18, vm0, $0xb8;
	[tilespmem:$0x1E080] =	vst v63  }
0x278: {  	v48 =	vperm.xlane v17, v14;
	v18 =	vadd.s32 v3, v47  }
0x279: {  	[tilespmem:s20], [sflag:$0x2] =	stream.indirect_vreg.gather [hbm4b:s10+s3], $0x80, v19, vm0, $0xb8;
	[tilespmem:$0x1E080] =	vst v63  }
0x27a: {  	v49 =	vperm.xlane v17, v15;
	v19 =	vadd.s32 v3, v48  }
0x27b: {  	[tilespmem:s21], [sflag:$0x2] =	stream.indirect_vreg.gather [hbm4b:s10+s3], $0x80, v46, vm0, $0xb8;
	[tilespmem:$0x1E080] =	vst v63  }
0x27c: {  	v17 =	vperm.xlane v17, v16;
	v50 =	vadd.s32 v3, v49  }
0x27d: {  	[tilespmem:s22], [sflag:$0x2] =	stream.indirect_vreg.gather [hbm4b:s10+s3], $0x80, v18, vm0, $0xb8;
	[tilespmem:$0x1E080] =	vst v63  }
0x27e: {  	v17 =	vadd.s32 v3, v17  }
0x27f: {  	[tilespmem:s23], [sflag:$0x2] =	stream.indirect_vreg.gather [hbm4b:s10+s3], $0x80, v19, vm0, $0xb8;
	[tilespmem:$0x1E080] =	vst v63  }
0x280: {  	_ = 	snop  }
0x281: {  	[tilespmem:s24], [sflag:$0x2] =	stream.indirect_vreg.gather [hbm4b:s10+s3], $0x80, v50, vm0, $0xb8;
	[tilespmem:$0x1E080] =	vst v63  }
0x282: {  	_ = 	snop  }
0x283: {  	[tilespmem:s26], [sflag:$0x2] =	stream.indirect_vreg.gather [hbm4b:s10+s3], $0x80, v17, vm0, $0xb8;
	[tilespmem:$0x1E080] =	vst v63  }
0x284: {  	v17 =	vld.msk [tilespmem:s8+$0xF0], $0x1fff;
	_ =	sdelay $0x4  }
0x285: {  	v18 =	vshll.u32 v17, $0x1  }
0x286: {  	v17 =	vand.u32 $0x7, v17;
	v18 =	vand.u32 $0xFFFFFFF0, v18  }
0x287: {  	v17 =	vor.u32 v17, v18  }
0x288: {  	v18 =	vperm.xlane v17, v2;
	_ =	sdelay $0x1  }
0x289: {  	v19 =	vperm.xlane v17, v1;
	v18 =	vadd.s32 v3, v18;
	_ =	sdelay $0x1  }
0x28a: {  	v51 =	vperm.xlane v17, v4;
	v19 =	vadd.s32 v3, v19;
	_ =	sdelay $0x1  }
0x28b: {  	v52 =	vperm.xlane v17, v5;
	v20 =	vadd.s32 v3, v51  }
0x28c: {  	[tilespmem:s30], [sflag:$0x2] =	stream.indirect_vreg.gather [hbm4b:s10+s3], $0x80, v18, vm0, $0xb8;
	[tilespmem:$0x1E080] =	vst v63  }
0x28d: {  	v53 =	vperm.xlane v17, v6;
	v18 =	vadd.s32 v3, v52  }
0x28e: {  	[tilespmem:s14], [sflag:$0x2] =	stream.indirect_vreg.gather [hbm4b:s10+s3], $0x80, v19, vm0, $0xb8;
	[tilespmem:$0x1E080] =	vst v63  }
0x28f: {  	v54 =	vperm.xlane v17, v7;
	v19 =	vadd.s32 v3, v53  }
0x290: {  	[tilespmem:s5], [sflag:$0x2] =	stream.indirect_vreg.gather [hbm4b:s10+s3], $0x80, v20, vm0, $0xb8;
	[tilespmem:$0x1E080] =	vst v63  }
0x291: {  	v56 =	vperm.xlane v17, v8;
	v55 =	vadd.s32 v3, v54  }
0x292: {  	[tilespmem:s1], [sflag:$0x2] =	stream.indirect_vreg.gather [hbm4b:s10+s3], $0x80, v18, vm0, $0xb8;
	[tilespmem:$0x1E080] =	vst v63  }
0x293: {  	v57 =	vperm.xlane v17, v0;
	v18 =	vadd.s32 v3, v56  }
0x294: {  	[tilespmem:s0], [sflag:$0x2] =	stream.indirect_vreg.gather [hbm4b:s10+s3], $0x80, v19, vm0, $0xb8;
	[tilespmem:$0x1E080] =	vst v63  }
0x295: {  	v58 =	vperm.xlane v17, v9;
	v19 =	vadd.s32 v3, v57  }
0x296: {  	[tilespmem:s31], [sflag:$0x2] =	stream.indirect_vreg.gather [hbm4b:s10+s3], $0x80, v55, vm0, $0xb8;
	[tilespmem:$0x1E080] =	vst v63  }
0x297: {  	v60 =	vperm.xlane v17, v10;
	v59 =	vadd.s32 v3, v58  }
0x298: {  	[tilespmem:s28], [sflag:$0x2] =	stream.indirect_vreg.gather [hbm4b:s10+s3], $0x80, v18, vm0, $0xb8;
	[tilespmem:$0x1E080] =	vst v63  }
0x299: {  	v61 =	vperm.xlane v17, v11;
	v18 =	vadd.s32 v3, v60  }
0x29a: {  	[tilespmem:s29], [sflag:$0x2] =	stream.indirect_vreg.gather [hbm4b:s10+s3], $0x80, v19, vm0, $0xb8;
	[tilespmem:$0x1E080] =	vst v63  }
0x29b: {  	v62 =	vperm.xlane v17, v12;
	v19 =	vadd.s32 v3, v61  }
0x29c: {  	[tilespmem:s25], [sflag:$0x2] =	stream.indirect_vreg.gather [hbm4b:s10+s3], $0x80, v59, vm0, $0xb8;
	[tilespmem:$0x1E080] =	vst v63  }
0x29d: {  	v17 =	vperm.xlane v17, v13;
	v63 =	vadd.s32 v3, v62  }
0x29e: {  	[tilespmem:s11], [sflag:$0x2] =	stream.indirect_vreg.gather [hbm4b:s10+s3], $0x80, v18, vm0, $0xb8;
	[tilespmem:$0x1E080] =	vst v63  }
0x29f: {  	v17 =	vadd.s32 v3, v17  }
0x2a0: {  	[tilespmem:s12], [sflag:$0x2] =	stream.indirect_vreg.gather [hbm4b:s10+s3], $0x80, v19, vm0, $0xb8;
	[tilespmem:$0x1E080] =	vst v63  }
0x2a1: {  	_ = 	snop  }
0x2a2: {  	[tilespmem:s13], [sflag:$0x2] =	stream.indirect_vreg.gather [hbm4b:s10+s3], $0x80, v63, vm0, $0xb8;
	[tilespmem:$0x1E080] =	vst v63  }
0x2a3: {  	_ = 	snop  }
0x2a4: {  	[tilespmem:s6], [sflag:$0x2] =	stream.indirect_vreg.gather [hbm4b:s10+s3], $0x80, v17, vm0, $0xb8;
	[tilespmem:$0x1E080] =	vst v63  }
0x2a5: {  	_ =	swait.ge [sflag:s15], $0x3E80  }
0x2a6: {  	p2 =	seq.s32 s18, $0x4C00;
	[sflag:s15] =	ssyncset.done $0x0  }
.Ltmp4:
0x2a7: {  	s9 =	sadd.s32 $0x1400, s8;
	[sflag:s15] =	ssyncadd.s32 $0xFFFFC180;
	(pc) =	sbr.rel @p2 .LBB2_5-.Ltmp4, $4  }
0x2a8: {  	[spmem:s2] =	stream.indirect.scatter.add.f32 [tilespmem:s19], [sflag:$0x3], $0x80, s9, s4, $0xb8;
	[tilespmem:$0x1E080] =	vst v63  }
0x2a9: {  	_ =	swait.ge [sflag:s16], $0x3E80  }
0x2aa: {  	[sflag:s16] =	ssyncset.done $0x0  }
0x2ab: {  	[sflag:s16] =	ssyncadd.s32 $0xFFFFC180  }
0x2ac: {  	v17 =	vld [tilespmem:s8+$0x100];
	_ =	sdelay $0x4  }
0x2ad: {  	v18 =	vshll.u32 v17, $0x1  }
0x2ae: {  	v17 =	vand.u32 $0x7, v17;
	v18 =	vand.u32 $0xFFFFFFF0, v18  }
0x2af: {  	v17 =	vor.u32 v17, v18  }
0x2b0: {  	v18 =	vperm.xlane v17, v2;
	_ =	sdelay $0x1  }
0x2b1: {  	v19 =	vperm.xlane v17, v1;
	v18 =	vadd.s32 v3, v18;
	_ =	sdelay $0x1  }
0x2b2: {  	v20 =	vperm.xlane v17, v4;
	v19 =	vadd.s32 v3, v19;
	_ =	sdelay $0x1  }
0x2b3: {  	v21 =	vperm.xlane v17, v5;
	v20 =	vadd.s32 v3, v20  }
0x2b4: {  	[tilespmem:s19], [sflag:$0x1] =	stream.indirect_vreg.gather [hbm4b:s10+s3], $0x80, v18, vm0, $0xb8;
	[tilespmem:$0x1E080] =	vst v63  }
0x2b5: {  	s9 =	simm.s32 $0x2880;
	v54 =	vperm.xlane v17, v6;
	v18 =	vadd.s32 v3, v21  }
0x2b6: {  	[tilespmem:s9], [sflag:$0x1] =	stream.indirect_vreg.gather [hbm4b:s10+s3], $0x80, v19, vm0, $0xb8;
	[tilespmem:$0x1E080] =	vst v63  }
0x2b7: {  	v55 =	vperm.xlane v17, v7;
	v19 =	vadd.s32 v3, v54;
	s9 =	simm.s32 $0x2900  }
0x2b8: {  	[tilespmem:s9], [sflag:$0x1] =	stream.indirect_vreg.gather [hbm4b:s10+s3], $0x80, v20, vm0, $0xb8;
	[tilespmem:$0x1E080] =	vst v63  }
0x2b9: {  	v57 =	vperm.xlane v17, v8;
	v56 =	vadd.s32 v3, v55;
	s9 =	simm.s32 $0x2980  }
0x2ba: {  	[tilespmem:s9], [sflag:$0x1] =	stream.indirect_vreg.gather [hbm4b:s10+s3], $0x80, v18, vm0, $0xb8;
	[tilespmem:$0x1E080] =	vst v63  }
0x2bb: {  	v58 =	vperm.xlane v17, v0;
	v18 =	vadd.s32 v3, v57;
	s9 =	simm.s32 $0x2A00  }
0x2bc: {  	[tilespmem:s9], [sflag:$0x1] =	stream.indirect_vreg.gather [hbm4b:s10+s3], $0x80, v19, vm0, $0xb8;
	[tilespmem:$0x1E080] =	vst v63  }
0x2bd: {  	v59 =	vperm.xlane v17, v9;
	v19 =	vadd.s32 v3, v58;
	s9 =	simm.s32 $0x2A80  }
0x2be: {  	[tilespmem:s9], [sflag:$0x1] =	stream.indirect_vreg.gather [hbm4b:s10+s3], $0x80, v56, vm0, $0xb8;
	[tilespmem:$0x1E080] =	vst v63  }
0x2bf: {  	v61 =	vperm.xlane v17, v10;
	v60 =	vadd.s32 v3, v59;
	s9 =	simm.s32 $0x2B00  }
0x2c0: {  	[tilespmem:s9], [sflag:$0x1] =	stream.indirect_vreg.gather [hbm4b:s10+s3], $0x80, v18, vm0, $0xb8;
	[tilespmem:$0x1E080] =	vst v63  }
0x2c1: {  	v62 =	vperm.xlane v17, v11;
	v18 =	vadd.s32 v3, v61;
	s9 =	simm.s32 $0x2B80  }
0x2c2: {  	[tilespmem:s9], [sflag:$0x1] =	stream.indirect_vreg.gather [hbm4b:s10+s3], $0x80, v19, vm0, $0xb8;
	[tilespmem:$0x1E080] =	vst v63  }
0x2c3: {  	v63 =	vperm.xlane v17, v12;
	v19 =	vadd.s32 v3, v62;
	s9 =	simm.s32 $0x2C00  }
0x2c4: {  	[tilespmem:s9], [sflag:$0x1] =	stream.indirect_vreg.gather [hbm4b:s10+s3], $0x80, v60, vm0, $0xb8;
	[tilespmem:$0x1E080] =	vst v63  }
0x2c5: {  	v25 =	vperm.xlane v17, v13;
	v24 =	vadd.s32 v3, v63;
	s9 =	simm.s32 $0x2C80  }
0x2c6: {  	[tilespmem:s9], [sflag:$0x1] =	stream.indirect_vreg.gather [hbm4b:s10+s3], $0x80, v18, vm0, $0xb8;
	[tilespmem:$0x1E080] =	vst v63  }
0x2c7: {  	v26 =	vperm.xlane v17, v14;
	v18 =	vadd.s32 v3, v25;
	s9 =	simm.s32 $0x2D00  }
0x2c8: {  	[tilespmem:s9], [sflag:$0x1] =	stream.indirect_vreg.gather [hbm4b:s10+s3], $0x80, v19, vm0, $0xb8;
	[tilespmem:$0x1E080] =	vst v63  }
0x2c9: {  	v27 =	vperm.xlane v17, v15;
	v19 =	vadd.s32 v3, v26;
	s9 =	simm.s32 $0x2D80  }
0x2ca: {  	[tilespmem:s9], [sflag:$0x1] =	stream.indirect_vreg.gather [hbm4b:s10+s3], $0x80, v24, vm0, $0xb8;
	[tilespmem:$0x1E080] =	vst v63  }
0x2cb: {  	v17 =	vperm.xlane v17, v16;
	v28 =	vadd.s32 v3, v27;
	s9 =	simm.s32 $0x2E00  }
0x2cc: {  	[tilespmem:s9], [sflag:$0x1] =	stream.indirect_vreg.gather [hbm4b:s10+s3], $0x80, v18, vm0, $0xb8;
	[tilespmem:$0x1E080] =	vst v63  }
0x2cd: {  	v17 =	vadd.s32 v3, v17;
	s9 =	simm.s32 $0x2E80  }
0x2ce: {  	[tilespmem:s9], [sflag:$0x1] =	stream.indirect_vreg.gather [hbm4b:s10+s3], $0x80, v19, vm0, $0xb8;
	[tilespmem:$0x1E080] =	vst v63  }
0x2cf: {  	s9 =	simm.s32 $0x2F00  }
0x2d0: {  	[tilespmem:s9], [sflag:$0x1] =	stream.indirect_vreg.gather [hbm4b:s10+s3], $0x80, v28, vm0, $0xb8;
	[tilespmem:$0x1E080] =	vst v63  }
0x2d1: {  	s9 =	simm.s32 $0x2F80  }
0x2d2: {  	[tilespmem:s9], [sflag:$0x1] =	stream.indirect_vreg.gather [hbm4b:s10+s3], $0x80, v17, vm0, $0xb8;
	[tilespmem:$0x1E080] =	vst v63  }
0x2d3: {  	v17 =	vld [tilespmem:s8+$0x110];
	_ =	sdelay $0x4  }
0x2d4: {  	v18 =	vshll.u32 v17, $0x1  }
0x2d5: {  	v17 =	vand.u32 $0x7, v17;
	v18 =	vand.u32 $0xFFFFFFF0, v18  }
0x2d6: {  	v17 =	vor.u32 v17, v18  }
0x2d7: {  	v18 =	vperm.xlane v17, v2;
	_ =	sdelay $0x1  }
0x2d8: {  	v19 =	vperm.xlane v17, v1;
	v18 =	vadd.s32 v3, v18;
	_ =	sdelay $0x1  }
0x2d9: {  	v29 =	vperm.xlane v17, v4;
	v19 =	vadd.s32 v3, v19;
	_ =	sdelay $0x1  }
0x2da: {  	s9 =	simm.s32 $0x3000;
	v30 =	vperm.xlane v17, v5;
	v20 =	vadd.s32 v3, v29  }
0x2db: {  	[tilespmem:s9], [sflag:$0x1] =	stream.indirect_vreg.gather [hbm4b:s10+s3], $0x80, v18, vm0, $0xb8;
	[tilespmem:$0x1E080] =	vst v63  }
0x2dc: {  	v31 =	vperm.xlane v17, v6;
	v18 =	vadd.s32 v3, v30;
	s9 =	simm.s32 $0x3080  }
0x2dd: {  	[tilespmem:s9], [sflag:$0x1] =	stream.indirect_vreg.gather [hbm4b:s10+s3], $0x80, v19, vm0, $0xb8;
	[tilespmem:$0x1E080] =	vst v63  }
0x2de: {  	v32 =	vperm.xlane v17, v7;
	v19 =	vadd.s32 v3, v31;
	s9 =	simm.s32 $0x3100  }
0x2df: {  	[tilespmem:s9], [sflag:$0x1] =	stream.indirect_vreg.gather [hbm4b:s10+s3], $0x80, v20, vm0, $0xb8;
	[tilespmem:$0x1E080] =	vst v63  }
0x2e0: {  	v34 =	vperm.xlane v17, v8;
	v33 =	vadd.s32 v3, v32;
	s9 =	simm.s32 $0x3180  }
0x2e1: {  	[tilespmem:s9], [sflag:$0x1] =	stream.indirect_vreg.gather [hbm4b:s10+s3], $0x80, v18, vm0, $0xb8;
	[tilespmem:$0x1E080] =	vst v63  }
0x2e2: {  	v35 =	vperm.xlane v17, v0;
	v18 =	vadd.s32 v3, v34;
	s9 =	simm.s32 $0x3200  }
0x2e3: {  	[tilespmem:s9], [sflag:$0x1] =	stream.indirect_vreg.gather [hbm4b:s10+s3], $0x80, v19, vm0, $0xb8;
	[tilespmem:$0x1E080] =	vst v63  }
0x2e4: {  	v36 =	vperm.xlane v17, v9;
	v19 =	vadd.s32 v3, v35;
	s9 =	simm.s32 $0x3280  }
0x2e5: {  	[tilespmem:s9], [sflag:$0x1] =	stream.indirect_vreg.gather [hbm4b:s10+s3], $0x80, v33, vm0, $0xb8;
	[tilespmem:$0x1E080] =	vst v63  }
0x2e6: {  	v38 =	vperm.xlane v17, v10;
	v37 =	vadd.s32 v3, v36;
	s9 =	simm.s32 $0x3300  }
0x2e7: {  	[tilespmem:s9], [sflag:$0x1] =	stream.indirect_vreg.gather [hbm4b:s10+s3], $0x80, v18, vm0, $0xb8;
	[tilespmem:$0x1E080] =	vst v63  }
0x2e8: {  	v39 =	vperm.xlane v17, v11;
	v18 =	vadd.s32 v3, v38;
	s9 =	simm.s32 $0x3380  }
0x2e9: {  	[tilespmem:s9], [sflag:$0x1] =	stream.indirect_vreg.gather [hbm4b:s10+s3], $0x80, v19, vm0, $0xb8;
	[tilespmem:$0x1E080] =	vst v63  }
0x2ea: {  	v40 =	vperm.xlane v17, v12;
	v19 =	vadd.s32 v3, v39;
	s9 =	simm.s32 $0x3400  }
0x2eb: {  	[tilespmem:s9], [sflag:$0x1] =	stream.indirect_vreg.gather [hbm4b:s10+s3], $0x80, v37, vm0, $0xb8;
	[tilespmem:$0x1E080] =	vst v63  }
0x2ec: {  	v42 =	vperm.xlane v17, v13;
	v41 =	vadd.s32 v3, v40;
	s9 =	simm.s32 $0x3480  }
0x2ed: {  	[tilespmem:s9], [sflag:$0x1] =	stream.indirect_vreg.gather [hbm4b:s10+s3], $0x80, v18, vm0, $0xb8;
	[tilespmem:$0x1E080] =	vst v63  }
0x2ee: {  	v43 =	vperm.xlane v17, v14;
	v18 =	vadd.s32 v3, v42;
	s9 =	simm.s32 $0x3500  }
0x2ef: {  	[tilespmem:s9], [sflag:$0x1] =	stream.indirect_vreg.gather [hbm4b:s10+s3], $0x80, v19, vm0, $0xb8;
	[tilespmem:$0x1E080] =	vst v63  }
0x2f0: {  	v44 =	vperm.xlane v17, v15;
	v19 =	vadd.s32 v3, v43;
	s9 =	simm.s32 $0x3580  }
0x2f1: {  	[tilespmem:s9], [sflag:$0x1] =	stream.indirect_vreg.gather [hbm4b:s10+s3], $0x80, v41, vm0, $0xb8;
	[tilespmem:$0x1E080] =	vst v63  }
0x2f2: {  	v17 =	vperm.xlane v17, v16;
	v45 =	vadd.s32 v3, v44;
	s9 =	simm.s32 $0x3600  }
0x2f3: {  	[tilespmem:s9], [sflag:$0x1] =	stream.indirect_vreg.gather [hbm4b:s10+s3], $0x80, v18, vm0, $0xb8;
	[tilespmem:$0x1E080] =	vst v63  }
0x2f4: {  	v17 =	vadd.s32 v3, v17;
	s9 =	simm.s32 $0x3680  }
0x2f5: {  	[tilespmem:s9], [sflag:$0x1] =	stream.indirect_vreg.gather [hbm4b:s10+s3], $0x80, v19, vm0, $0xb8;
	[tilespmem:$0x1E080] =	vst v63  }
0x2f6: {  	s9 =	simm.s32 $0x3700  }
0x2f7: {  	[tilespmem:s9], [sflag:$0x1] =	stream.indirect_vreg.gather [hbm4b:s10+s3], $0x80, v45, vm0, $0xb8;
	[tilespmem:$0x1E080] =	vst v63  }
0x2f8: {  	s9 =	simm.s32 $0x3780  }
0x2f9: {  	[tilespmem:s9], [sflag:$0x1] =	stream.indirect_vreg.gather [hbm4b:s10+s3], $0x80, v17, vm0, $0xb8;
	[tilespmem:$0x1E080] =	vst v63  }
0x2fa: {  	v17 =	vld [tilespmem:s8+$0x120];
	_ =	sdelay $0x4  }
0x2fb: {  	v18 =	vshll.u32 v17, $0x1  }
0x2fc: {  	v17 =	vand.u32 $0x7, v17;
	v18 =	vand.u32 $0xFFFFFFF0, v18  }
0x2fd: {  	v17 =	vor.u32 v17, v18  }
0x2fe: {  	v18 =	vperm.xlane v17, v2;
	_ =	sdelay $0x1  }
0x2ff: {  	v19 =	vperm.xlane v17, v1;
	v18 =	vadd.s32 v3, v18;
	_ =	sdelay $0x1  }
0x300: {  	v46 =	vperm.xlane v17, v4;
	v19 =	vadd.s32 v3, v19;
	_ =	sdelay $0x1  }
0x301: {  	s9 =	simm.s32 $0x3800;
	v47 =	vperm.xlane v17, v5;
	v20 =	vadd.s32 v3, v46  }
0x302: {  	[tilespmem:s9], [sflag:$0x1] =	stream.indirect_vreg.gather [hbm4b:s10+s3], $0x80, v18, vm0, $0xb8;
	[tilespmem:$0x1E080] =	vst v63  }
0x303: {  	v48 =	vperm.xlane v17, v6;
	v18 =	vadd.s32 v3, v47;
	s9 =	simm.s32 $0x3880  }
0x304: {  	[tilespmem:s9], [sflag:$0x1] =	stream.indirect_vreg.gather [hbm4b:s10+s3], $0x80, v19, vm0, $0xb8;
	[tilespmem:$0x1E080] =	vst v63  }
0x305: {  	v49 =	vperm.xlane v17, v7;
	v19 =	vadd.s32 v3, v48;
	s9 =	simm.s32 $0x3900  }
0x306: {  	[tilespmem:s9], [sflag:$0x1] =	stream.indirect_vreg.gather [hbm4b:s10+s3], $0x80, v20, vm0, $0xb8;
	[tilespmem:$0x1E080] =	vst v63  }
0x307: {  	v51 =	vperm.xlane v17, v8;
	v50 =	vadd.s32 v3, v49;
	s9 =	simm.s32 $0x3980  }
0x308: {  	[tilespmem:s9], [sflag:$0x1] =	stream.indirect_vreg.gather [hbm4b:s10+s3], $0x80, v18, vm0, $0xb8;
	[tilespmem:$0x1E080] =	vst v63  }
0x309: {  	v52 =	vperm.xlane v17, v0;
	v18 =	vadd.s32 v3, v51;
	s9 =	simm.s32 $0x3A00  }
0x30a: {  	[tilespmem:s9], [sflag:$0x1] =	stream.indirect_vreg.gather [hbm4b:s10+s3], $0x80, v19, vm0, $0xb8;
	[tilespmem:$0x1E080] =	vst v63  }
0x30b: {  	v53 =	vperm.xlane v17, v9;
	v19 =	vadd.s32 v3, v52;
	s9 =	simm.s32 $0x3A80  }
0x30c: {  	[tilespmem:s9], [sflag:$0x1] =	stream.indirect_vreg.gather [hbm4b:s10+s3], $0x80, v50, vm0, $0xb8;
	[tilespmem:$0x1E080] =	vst v63  }
0x30d: {  	v55 =	vperm.xlane v17, v10;
	v54 =	vadd.s32 v3, v53;
	s9 =	simm.s32 $0x3B00  }
0x30e: {  	[tilespmem:s9], [sflag:$0x1] =	stream.indirect_vreg.gather [hbm4b:s10+s3], $0x80, v18, vm0, $0xb8;
	[tilespmem:$0x1E080] =	vst v63  }
0x30f: {  	v56 =	vperm.xlane v17, v11;
	v18 =	vadd.s32 v3, v55;
	s9 =	simm.s32 $0x3B80  }
0x310: {  	[tilespmem:s9], [sflag:$0x1] =	stream.indirect_vreg.gather [hbm4b:s10+s3], $0x80, v19, vm0, $0xb8;
	[tilespmem:$0x1E080] =	vst v63  }
0x311: {  	v57 =	vperm.xlane v17, v12;
	v19 =	vadd.s32 v3, v56;
	s9 =	simm.s32 $0x3C00  }
0x312: {  	[tilespmem:s9], [sflag:$0x1] =	stream.indirect_vreg.gather [hbm4b:s10+s3], $0x80, v54, vm0, $0xb8;
	[tilespmem:$0x1E080] =	vst v63  }
0x313: {  	v59 =	vperm.xlane v17, v13;
	v58 =	vadd.s32 v3, v57;
	s9 =	simm.s32 $0x3C80  }
0x314: {  	[tilespmem:s9], [sflag:$0x1] =	stream.indirect_vreg.gather [hbm4b:s10+s3], $0x80, v18, vm0, $0xb8;
	[tilespmem:$0x1E080] =	vst v63  }
0x315: {  	v60 =	vperm.xlane v17, v14;
	v18 =	vadd.s32 v3, v59;
	s9 =	simm.s32 $0x3D00  }
0x316: {  	[tilespmem:s9], [sflag:$0x1] =	stream.indirect_vreg.gather [hbm4b:s10+s3], $0x80, v19, vm0, $0xb8;
	[tilespmem:$0x1E080] =	vst v63  }
0x317: {  	v61 =	vperm.xlane v17, v15;
	v19 =	vadd.s32 v3, v60;
	s9 =	simm.s32 $0x3D80  }
0x318: {  	[tilespmem:s9], [sflag:$0x1] =	stream.indirect_vreg.gather [hbm4b:s10+s3], $0x80, v58, vm0, $0xb8;
	[tilespmem:$0x1E080] =	vst v63  }
0x319: {  	v17 =	vperm.xlane v17, v16;
	v62 =	vadd.s32 v3, v61;
	s9 =	simm.s32 $0x3E00  }
0x31a: {  	[tilespmem:s9], [sflag:$0x1] =	stream.indirect_vreg.gather [hbm4b:s10+s3], $0x80, v18, vm0, $0xb8;
	[tilespmem:$0x1E080] =	vst v63  }
0x31b: {  	v17 =	vadd.s32 v3, v17;
	s9 =	simm.s32 $0x3E80  }
0x31c: {  	[tilespmem:s9], [sflag:$0x1] =	stream.indirect_vreg.gather [hbm4b:s10+s3], $0x80, v19, vm0, $0xb8;
	[tilespmem:$0x1E080] =	vst v63  }
0x31d: {  	s9 =	simm.s32 $0x3F00  }
0x31e: {  	[tilespmem:s9], [sflag:$0x1] =	stream.indirect_vreg.gather [hbm4b:s10+s3], $0x80, v62, vm0, $0xb8;
	[tilespmem:$0x1E080] =	vst v63  }
0x31f: {  	s9 =	simm.s32 $0x3F80  }
0x320: {  	[tilespmem:s9], [sflag:$0x1] =	stream.indirect_vreg.gather [hbm4b:s10+s3], $0x80, v17, vm0, $0xb8;
	[tilespmem:$0x1E080] =	vst v63  }
0x321: {  	v17 =	vld [tilespmem:s8+$0x130];
	_ =	sdelay $0x4  }
0x322: {  	v18 =	vshll.u32 v17, $0x1  }
0x323: {  	v17 =	vand.u32 $0x7, v17;
	v18 =	vand.u32 $0xFFFFFFF0, v18  }
0x324: {  	v17 =	vor.u32 v17, v18  }
0x325: {  	v18 =	vperm.xlane v17, v2;
	_ =	sdelay $0x1  }
0x326: {  	v19 =	vperm.xlane v17, v1;
	v18 =	vadd.s32 v3, v18;
	_ =	sdelay $0x1  }
0x327: {  	v63 =	vperm.xlane v17, v4;
	v19 =	vadd.s32 v3, v19;
	_ =	sdelay $0x1  }
0x328: {  	s9 =	simm.s32 $0x4000;
	v24 =	vperm.xlane v17, v5;
	v20 =	vadd.s32 v3, v63  }
0x329: {  	[tilespmem:s9], [sflag:$0x1] =	stream.indirect_vreg.gather [hbm4b:s10+s3], $0x80, v18, vm0, $0xb8;
	[tilespmem:$0x1E080] =	vst v63  }
0x32a: {  	v25 =	vperm.xlane v17, v6;
	v18 =	vadd.s32 v3, v24;
	s9 =	simm.s32 $0x4080  }
0x32b: {  	[tilespmem:s9], [sflag:$0x1] =	stream.indirect_vreg.gather [hbm4b:s10+s3], $0x80, v19, vm0, $0xb8;
	[tilespmem:$0x1E080] =	vst v63  }
0x32c: {  	v26 =	vperm.xlane v17, v7;
	v19 =	vadd.s32 v3, v25;
	s9 =	simm.s32 $0x4100  }
0x32d: {  	[tilespmem:s9], [sflag:$0x1] =	stream.indirect_vreg.gather [hbm4b:s10+s3], $0x80, v20, vm0, $0xb8;
	[tilespmem:$0x1E080] =	vst v63  }
0x32e: {  	v28 =	vperm.xlane v17, v8;
	v27 =	vadd.s32 v3, v26;
	s9 =	simm.s32 $0x4180  }
0x32f: {  	[tilespmem:s9], [sflag:$0x1] =	stream.indirect_vreg.gather [hbm4b:s10+s3], $0x80, v18, vm0, $0xb8;
	[tilespmem:$0x1E080] =	vst v63  }
0x330: {  	v29 =	vperm.xlane v17, v0;
	v18 =	vadd.s32 v3, v28;
	s9 =	simm.s32 $0x4200  }
0x331: {  	[tilespmem:s9], [sflag:$0x1] =	stream.indirect_vreg.gather [hbm4b:s10+s3], $0x80, v19, vm0, $0xb8;
	[tilespmem:$0x1E080] =	vst v63  }
0x332: {  	v30 =	vperm.xlane v17, v9;
	v19 =	vadd.s32 v3, v29;
	s9 =	simm.s32 $0x4280  }
0x333: {  	[tilespmem:s9], [sflag:$0x1] =	stream.indirect_vreg.gather [hbm4b:s10+s3], $0x80, v27, vm0, $0xb8;
	[tilespmem:$0x1E080] =	vst v63  }
0x334: {  	v32 =	vperm.xlane v17, v10;
	v31 =	vadd.s32 v3, v30;
	s9 =	simm.s32 $0x4300  }
0x335: {  	[tilespmem:s9], [sflag:$0x1] =	stream.indirect_vreg.gather [hbm4b:s10+s3], $0x80, v18, vm0, $0xb8;
	[tilespmem:$0x1E080] =	vst v63  }
0x336: {  	v33 =	vperm.xlane v17, v11;
	v18 =	vadd.s32 v3, v32;
	s9 =	simm.s32 $0x4380  }
0x337: {  	[tilespmem:s9], [sflag:$0x1] =	stream.indirect_vreg.gather [hbm4b:s10+s3], $0x80, v19, vm0, $0xb8;
	[tilespmem:$0x1E080] =	vst v63  }
0x338: {  	v34 =	vperm.xlane v17, v12;
	v19 =	vadd.s32 v3, v33;
	s9 =	simm.s32 $0x4400  }
0x339: {  	[tilespmem:s9], [sflag:$0x1] =	stream.indirect_vreg.gather [hbm4b:s10+s3], $0x80, v31, vm0, $0xb8;
	[tilespmem:$0x1E080] =	vst v63  }
0x33a: {  	v36 =	vperm.xlane v17, v13;
	v35 =	vadd.s32 v3, v34;
	s9 =	simm.s32 $0x4480  }
0x33b: {  	[tilespmem:s9], [sflag:$0x1] =	stream.indirect_vreg.gather [hbm4b:s10+s3], $0x80, v18, vm0, $0xb8;
	[tilespmem:$0x1E080] =	vst v63  }
0x33c: {  	v37 =	vperm.xlane v17, v14;
	v18 =	vadd.s32 v3, v36;
	s9 =	simm.s32 $0x4500  }
0x33d: {  	[tilespmem:s9], [sflag:$0x1] =	stream.indirect_vreg.gather [hbm4b:s10+s3], $0x80, v19, vm0, $0xb8;
	[tilespmem:$0x1E080] =	vst v63  }
0x33e: {  	v38 =	vperm.xlane v17, v15;
	v19 =	vadd.s32 v3, v37;
	s9 =	simm.s32 $0x4580  }
0x33f: {  	[tilespmem:s9], [sflag:$0x1] =	stream.indirect_vreg.gather [hbm4b:s10+s3], $0x80, v35, vm0, $0xb8;
	[tilespmem:$0x1E080] =	vst v63  }
0x340: {  	v17 =	vperm.xlane v17, v16;
	v39 =	vadd.s32 v3, v38;
	s9 =	simm.s32 $0x4600  }
0x341: {  	[tilespmem:s9], [sflag:$0x1] =	stream.indirect_vreg.gather [hbm4b:s10+s3], $0x80, v18, vm0, $0xb8;
	[tilespmem:$0x1E080] =	vst v63  }
0x342: {  	v17 =	vadd.s32 v3, v17;
	s9 =	simm.s32 $0x4680  }
0x343: {  	[tilespmem:s9], [sflag:$0x1] =	stream.indirect_vreg.gather [hbm4b:s10+s3], $0x80, v19, vm0, $0xb8;
	[tilespmem:$0x1E080] =	vst v63  }
0x344: {  	s9 =	simm.s32 $0x4700  }
0x345: {  	[tilespmem:s9], [sflag:$0x1] =	stream.indirect_vreg.gather [hbm4b:s10+s3], $0x80, v39, vm0, $0xb8;
	[tilespmem:$0x1E080] =	vst v63  }
0x346: {  	s9 =	simm.s32 $0x4780  }
0x347: {  	[tilespmem:s9], [sflag:$0x1] =	stream.indirect_vreg.gather [hbm4b:s10+s3], $0x80, v17, vm0, $0xb8;
	[tilespmem:$0x1E080] =	vst v63  }
0x348: {  	v17 =	vld [tilespmem:s8+$0x140];
	_ =	sdelay $0x4  }
0x349: {  	v18 =	vshll.u32 v17, $0x1  }
0x34a: {  	v17 =	vand.u32 $0x7, v17;
	v18 =	vand.u32 $0xFFFFFFF0, v18  }
0x34b: {  	v17 =	vor.u32 v17, v18  }
0x34c: {  	v18 =	vperm.xlane v17, v2;
	_ =	sdelay $0x1  }
0x34d: {  	v19 =	vperm.xlane v17, v1;
	v18 =	vadd.s32 v3, v18;
	_ =	sdelay $0x1  }
0x34e: {  	v40 =	vperm.xlane v17, v4;
	v19 =	vadd.s32 v3, v19;
	_ =	sdelay $0x1  }
0x34f: {  	s9 =	simm.s32 $0x4800;
	v41 =	vperm.xlane v17, v5;
	v20 =	vadd.s32 v3, v40  }
0x350: {  	[tilespmem:s9], [sflag:$0x1] =	stream.indirect_vreg.gather [hbm4b:s10+s3], $0x80, v18, vm0, $0xb8;
	[tilespmem:$0x1E080] =	vst v63  }
0x351: {  	v42 =	vperm.xlane v17, v6;
	v18 =	vadd.s32 v3, v41;
	s9 =	simm.s32 $0x4880  }
0x352: {  	[tilespmem:s9], [sflag:$0x1] =	stream.indirect_vreg.gather [hbm4b:s10+s3], $0x80, v19, vm0, $0xb8;
	[tilespmem:$0x1E080] =	vst v63  }
0x353: {  	v43 =	vperm.xlane v17, v7;
	v19 =	vadd.s32 v3, v42;
	s9 =	simm.s32 $0x4900  }
0x354: {  	[tilespmem:s9], [sflag:$0x1] =	stream.indirect_vreg.gather [hbm4b:s10+s3], $0x80, v20, vm0, $0xb8;
	[tilespmem:$0x1E080] =	vst v63  }
0x355: {  	v45 =	vperm.xlane v17, v8;
	v44 =	vadd.s32 v3, v43;
	s9 =	simm.s32 $0x4980  }
0x356: {  	[tilespmem:s9], [sflag:$0x1] =	stream.indirect_vreg.gather [hbm4b:s10+s3], $0x80, v18, vm0, $0xb8;
	[tilespmem:$0x1E080] =	vst v63  }
0x357: {  	v46 =	vperm.xlane v17, v0;
	v18 =	vadd.s32 v3, v45;
	s9 =	simm.s32 $0x4A00  }
0x358: {  	[tilespmem:s9], [sflag:$0x1] =	stream.indirect_vreg.gather [hbm4b:s10+s3], $0x80, v19, vm0, $0xb8;
	[tilespmem:$0x1E080] =	vst v63  }
0x359: {  	v47 =	vperm.xlane v17, v9;
	v19 =	vadd.s32 v3, v46;
	s9 =	simm.s32 $0x4A80  }
0x35a: {  	[tilespmem:s9], [sflag:$0x1] =	stream.indirect_vreg.gather [hbm4b:s10+s3], $0x80, v44, vm0, $0xb8;
	[tilespmem:$0x1E080] =	vst v63  }
0x35b: {  	v49 =	vperm.xlane v17, v10;
	v48 =	vadd.s32 v3, v47;
	s9 =	simm.s32 $0x4B00  }
0x35c: {  	[tilespmem:s9], [sflag:$0x1] =	stream.indirect_vreg.gather [hbm4b:s10+s3], $0x80, v18, vm0, $0xb8;
	[tilespmem:$0x1E080] =	vst v63  }
0x35d: {  	v50 =	vperm.xlane v17, v11;
	v18 =	vadd.s32 v3, v49;
	s9 =	simm.s32 $0x4B80  }
0x35e: {  	[tilespmem:s9], [sflag:$0x1] =	stream.indirect_vreg.gather [hbm4b:s10+s3], $0x80, v19, vm0, $0xb8;
	[tilespmem:$0x1E080] =	vst v63  }
0x35f: {  	v51 =	vperm.xlane v17, v12;
	v19 =	vadd.s32 v3, v50;
	s9 =	simm.s32 $0x4C00  }
0x360: {  	[tilespmem:s9], [sflag:$0x1] =	stream.indirect_vreg.gather [hbm4b:s10+s3], $0x80, v48, vm0, $0xb8;
	[tilespmem:$0x1E080] =	vst v63  }
0x361: {  	v53 =	vperm.xlane v17, v13;
	v52 =	vadd.s32 v3, v51;
	s9 =	simm.s32 $0x4C80  }
0x362: {  	[tilespmem:s9], [sflag:$0x1] =	stream.indirect_vreg.gather [hbm4b:s10+s3], $0x80, v18, vm0, $0xb8;
	[tilespmem:$0x1E080] =	vst v63  }
0x363: {  	v54 =	vperm.xlane v17, v14;
	v18 =	vadd.s32 v3, v53;
	s9 =	simm.s32 $0x4D00  }
0x364: {  	[tilespmem:s9], [sflag:$0x1] =	stream.indirect_vreg.gather [hbm4b:s10+s3], $0x80, v19, vm0, $0xb8;
	[tilespmem:$0x1E080] =	vst v63  }
0x365: {  	v55 =	vperm.xlane v17, v15;
	v19 =	vadd.s32 v3, v54;
	s9 =	simm.s32 $0x4D80  }
0x366: {  	[tilespmem:s9], [sflag:$0x1] =	stream.indirect_vreg.gather [hbm4b:s10+s3], $0x80, v52, vm0, $0xb8;
	[tilespmem:$0x1E080] =	vst v63  }
0x367: {  	v17 =	vperm.xlane v17, v16;
	v56 =	vadd.s32 v3, v55;
	s9 =	simm.s32 $0x4E00  }
0x368: {  	[tilespmem:s9], [sflag:$0x1] =	stream.indirect_vreg.gather [hbm4b:s10+s3], $0x80, v18, vm0, $0xb8;
	[tilespmem:$0x1E080] =	vst v63  }
0x369: {  	v17 =	vadd.s32 v3, v17;
	s9 =	simm.s32 $0x4E80  }
0x36a: {  	[tilespmem:s9], [sflag:$0x1] =	stream.indirect_vreg.gather [hbm4b:s10+s3], $0x80, v19, vm0, $0xb8;
	[tilespmem:$0x1E080] =	vst v63  }
0x36b: {  	s9 =	simm.s32 $0x4F00  }
0x36c: {  	[tilespmem:s9], [sflag:$0x1] =	stream.indirect_vreg.gather [hbm4b:s10+s3], $0x80, v56, vm0, $0xb8;
	[tilespmem:$0x1E080] =	vst v63  }
0x36d: {  	s9 =	simm.s32 $0x4F80  }
0x36e: {  	[tilespmem:s9], [sflag:$0x1] =	stream.indirect_vreg.gather [hbm4b:s10+s3], $0x80, v17, vm0, $0xb8;
	[tilespmem:$0x1E080] =	vst v63  }
0x36f: {  	v17 =	vld [tilespmem:s8+$0x150];
	_ =	sdelay $0x4  }
0x370: {  	v18 =	vshll.u32 v17, $0x1  }
0x371: {  	v17 =	vand.u32 $0x7, v17;
	v18 =	vand.u32 $0xFFFFFFF0, v18  }
0x372: {  	v17 =	vor.u32 v17, v18  }
0x373: {  	v18 =	vperm.xlane v17, v2;
	_ =	sdelay $0x1  }
0x374: {  	v19 =	vperm.xlane v17, v1;
	v18 =	vadd.s32 v3, v18;
	_ =	sdelay $0x1  }
0x375: {  	v57 =	vperm.xlane v17, v4;
	v19 =	vadd.s32 v3, v19;
	_ =	sdelay $0x1  }
0x376: {  	s9 =	simm.s32 $0x5000;
	v58 =	vperm.xlane v17, v5;
	v20 =	vadd.s32 v3, v57  }
0x377: {  	[tilespmem:s9], [sflag:$0x1] =	stream.indirect_vreg.gather [hbm4b:s10+s3], $0x80, v18, vm0, $0xb8;
	[tilespmem:$0x1E080] =	vst v63  }
0x378: {  	v59 =	vperm.xlane v17, v6;
	v18 =	vadd.s32 v3, v58;
	s9 =	simm.s32 $0x5080  }
0x379: {  	[tilespmem:s9], [sflag:$0x1] =	stream.indirect_vreg.gather [hbm4b:s10+s3], $0x80, v19, vm0, $0xb8;
	[tilespmem:$0x1E080] =	vst v63  }
0x37a: {  	v60 =	vperm.xlane v17, v7;
	v19 =	vadd.s32 v3, v59;
	s9 =	simm.s32 $0x5100  }
0x37b: {  	[tilespmem:s9], [sflag:$0x1] =	stream.indirect_vreg.gather [hbm4b:s10+s3], $0x80, v20, vm0, $0xb8;
	[tilespmem:$0x1E080] =	vst v63  }
0x37c: {  	v62 =	vperm.xlane v17, v8;
	v61 =	vadd.s32 v3, v60;
	s9 =	simm.s32 $0x5180  }
0x37d: {  	[tilespmem:s9], [sflag:$0x1] =	stream.indirect_vreg.gather [hbm4b:s10+s3], $0x80, v18, vm0, $0xb8;
	[tilespmem:$0x1E080] =	vst v63  }
0x37e: {  	v63 =	vperm.xlane v17, v0;
	v18 =	vadd.s32 v3, v62;
	s9 =	simm.s32 $0x5200  }
0x37f: {  	[tilespmem:s9], [sflag:$0x1] =	stream.indirect_vreg.gather [hbm4b:s10+s3], $0x80, v19, vm0, $0xb8;
	[tilespmem:$0x1E080] =	vst v63  }
0x380: {  	v24 =	vperm.xlane v17, v9;
	v19 =	vadd.s32 v3, v63;
	s9 =	simm.s32 $0x5280  }
0x381: {  	[tilespmem:s9], [sflag:$0x1] =	stream.indirect_vreg.gather [hbm4b:s10+s3], $0x80, v61, vm0, $0xb8;
	[tilespmem:$0x1E080] =	vst v63  }
0x382: {  	v26 =	vperm.xlane v17, v10;
	v25 =	vadd.s32 v3, v24;
	s9 =	simm.s32 $0x5300  }
0x383: {  	[tilespmem:s9], [sflag:$0x1] =	stream.indirect_vreg.gather [hbm4b:s10+s3], $0x80, v18, vm0, $0xb8;
	[tilespmem:$0x1E080] =	vst v63  }
0x384: {  	v27 =	vperm.xlane v17, v11;
	v18 =	vadd.s32 v3, v26;
	s9 =	simm.s32 $0x5380  }
0x385: {  	[tilespmem:s9], [sflag:$0x1] =	stream.indirect_vreg.gather [hbm4b:s10+s3], $0x80, v19, vm0, $0xb8;
	[tilespmem:$0x1E080] =	vst v63  }
0x386: {  	v28 =	vperm.xlane v17, v12;
	v19 =	vadd.s32 v3, v27;
	s9 =	simm.s32 $0x5400  }
0x387: {  	[tilespmem:s9], [sflag:$0x1] =	stream.indirect_vreg.gather [hbm4b:s10+s3], $0x80, v25, vm0, $0xb8;
	[tilespmem:$0x1E080] =	vst v63  }
0x388: {  	v30 =	vperm.xlane v17, v13;
	v29 =	vadd.s32 v3, v28;
	s9 =	simm.s32 $0x5480  }
0x389: {  	[tilespmem:s9], [sflag:$0x1] =	stream.indirect_vreg.gather [hbm4b:s10+s3], $0x80, v18, vm0, $0xb8;
	[tilespmem:$0x1E080] =	vst v63  }
0x38a: {  	v31 =	vperm.xlane v17, v14;
	v18 =	vadd.s32 v3, v30;
	s9 =	simm.s32 $0x5500  }
0x38b: {  	[tilespmem:s9], [sflag:$0x1] =	stream.indirect_vreg.gather [hbm4b:s10+s3], $0x80, v19, vm0, $0xb8;
	[tilespmem:$0x1E080] =	vst v63  }
0x38c: {  	v32 =	vperm.xlane v17, v15;
	v19 =	vadd.s32 v3, v31;
	s9 =	simm.s32 $0x5580  }
0x38d: {  	[tilespmem:s9], [sflag:$0x1] =	stream.indirect_vreg.gather [hbm4b:s10+s3], $0x80, v29, vm0, $0xb8;
	[tilespmem:$0x1E080] =	vst v63  }
0x38e: {  	v17 =	vperm.xlane v17, v16;
	v33 =	vadd.s32 v3, v32;
	s9 =	simm.s32 $0x5600  }
0x38f: {  	[tilespmem:s9], [sflag:$0x1] =	stream.indirect_vreg.gather [hbm4b:s10+s3], $0x80, v18, vm0, $0xb8;
	[tilespmem:$0x1E080] =	vst v63  }
0x390: {  	v17 =	vadd.s32 v3, v17;
	s9 =	simm.s32 $0x5680  }
0x391: {  	[tilespmem:s9], [sflag:$0x1] =	stream.indirect_vreg.gather [hbm4b:s10+s3], $0x80, v19, vm0, $0xb8;
	[tilespmem:$0x1E080] =	vst v63  }
0x392: {  	s9 =	simm.s32 $0x5700  }
0x393: {  	[tilespmem:s9], [sflag:$0x1] =	stream.indirect_vreg.gather [hbm4b:s10+s3], $0x80, v33, vm0, $0xb8;
	[tilespmem:$0x1E080] =	vst v63  }
0x394: {  	s9 =	simm.s32 $0x5780  }
0x395: {  	[tilespmem:s9], [sflag:$0x1] =	stream.indirect_vreg.gather [hbm4b:s10+s3], $0x80, v17, vm0, $0xb8;
	[tilespmem:$0x1E080] =	vst v63  }
0x396: {  	v17 =	vld [tilespmem:s8+$0x160];
	_ =	sdelay $0x4  }
0x397: {  	v18 =	vshll.u32 v17, $0x1  }
0x398: {  	v17 =	vand.u32 $0x7, v17;
	v18 =	vand.u32 $0xFFFFFFF0, v18  }
0x399: {  	v17 =	vor.u32 v17, v18  }
0x39a: {  	v18 =	vperm.xlane v17, v2;
	_ =	sdelay $0x1  }
0x39b: {  	v19 =	vperm.xlane v17, v1;
	v18 =	vadd.s32 v3, v18;
	_ =	sdelay $0x1  }
0x39c: {  	v34 =	vperm.xlane v17, v4;
	v19 =	vadd.s32 v3, v19;
	_ =	sdelay $0x1  }
0x39d: {  	s9 =	simm.s32 $0x5800;
	v35 =	vperm.xlane v17, v5;
	v20 =	vadd.s32 v3, v34  }
0x39e: {  	[tilespmem:s9], [sflag:$0x1] =	stream.indirect_vreg.gather [hbm4b:s10+s3], $0x80, v18, vm0, $0xb8;
	[tilespmem:$0x1E080] =	vst v63  }
0x39f: {  	v36 =	vperm.xlane v17, v6;
	v18 =	vadd.s32 v3, v35;
	s9 =	simm.s32 $0x5880  }
0x3a0: {  	[tilespmem:s9], [sflag:$0x1] =	stream.indirect_vreg.gather [hbm4b:s10+s3], $0x80, v19, vm0, $0xb8;
	[tilespmem:$0x1E080] =	vst v63  }
0x3a1: {  	v37 =	vperm.xlane v17, v7;
	v19 =	vadd.s32 v3, v36;
	s9 =	simm.s32 $0x5900  }
0x3a2: {  	[tilespmem:s9], [sflag:$0x1] =	stream.indirect_vreg.gather [hbm4b:s10+s3], $0x80, v20, vm0, $0xb8;
	[tilespmem:$0x1E080] =	vst v63  }
0x3a3: {  	v39 =	vperm.xlane v17, v8;
	v38 =	vadd.s32 v3, v37;
	s9 =	simm.s32 $0x5980  }
0x3a4: {  	[tilespmem:s9], [sflag:$0x1] =	stream.indirect_vreg.gather [hbm4b:s10+s3], $0x80, v18, vm0, $0xb8;
	[tilespmem:$0x1E080] =	vst v63  }
0x3a5: {  	v40 =	vperm.xlane v17, v0;
	v18 =	vadd.s32 v3, v39;
	s9 =	simm.s32 $0x5A00  }
0x3a6: {  	[tilespmem:s9], [sflag:$0x1] =	stream.indirect_vreg.gather [hbm4b:s10+s3], $0x80, v19, vm0, $0xb8;
	[tilespmem:$0x1E080] =	vst v63  }
0x3a7: {  	v41 =	vperm.xlane v17, v9;
	v19 =	vadd.s32 v3, v40;
	s9 =	simm.s32 $0x5A80  }
0x3a8: {  	[tilespmem:s9], [sflag:$0x1] =	stream.indirect_vreg.gather [hbm4b:s10+s3], $0x80, v38, vm0, $0xb8;
	[tilespmem:$0x1E080] =	vst v63  }
0x3a9: {  	v43 =	vperm.xlane v17, v10;
	v42 =	vadd.s32 v3, v41;
	s9 =	simm.s32 $0x5B00  }
0x3aa: {  	[tilespmem:s9], [sflag:$0x1] =	stream.indirect_vreg.gather [hbm4b:s10+s3], $0x80, v18, vm0, $0xb8;
	[tilespmem:$0x1E080] =	vst v63  }
0x3ab: {  	v44 =	vperm.xlane v17, v11;
	v18 =	vadd.s32 v3, v43;
	s9 =	simm.s32 $0x5B80  }
0x3ac: {  	[tilespmem:s9], [sflag:$0x1] =	stream.indirect_vreg.gather [hbm4b:s10+s3], $0x80, v19, vm0, $0xb8;
	[tilespmem:$0x1E080] =	vst v63  }
0x3ad: {  	v45 =	vperm.xlane v17, v12;
	v19 =	vadd.s32 v3, v44;
	s9 =	simm.s32 $0x5C00  }
0x3ae: {  	[tilespmem:s9], [sflag:$0x1] =	stream.indirect_vreg.gather [hbm4b:s10+s3], $0x80, v42, vm0, $0xb8;
	[tilespmem:$0x1E080] =	vst v63  }
0x3af: {  	v47 =	vperm.xlane v17, v13;
	v46 =	vadd.s32 v3, v45;
	s9 =	simm.s32 $0x5C80  }
0x3b0: {  	[tilespmem:s9], [sflag:$0x1] =	stream.indirect_vreg.gather [hbm4b:s10+s3], $0x80, v18, vm0, $0xb8;
	[tilespmem:$0x1E080] =	vst v63  }
0x3b1: {  	v48 =	vperm.xlane v17, v14;
	v18 =	vadd.s32 v3, v47;
	s9 =	simm.s32 $0x5D00  }
0x3b2: {  	[tilespmem:s9], [sflag:$0x1] =	stream.indirect_vreg.gather [hbm4b:s10+s3], $0x80, v19, vm0, $0xb8;
	[tilespmem:$0x1E080] =	vst v63  }
0x3b3: {  	v49 =	vperm.xlane v17, v15;
	v19 =	vadd.s32 v3, v48;
	s9 =	simm.s32 $0x5D80  }
0x3b4: {  	[tilespmem:s9], [sflag:$0x1] =	stream.indirect_vreg.gather [hbm4b:s10+s3], $0x80, v46, vm0, $0xb8;
	[tilespmem:$0x1E080] =	vst v63  }
0x3b5: {  	v17 =	vperm.xlane v17, v16;
	v50 =	vadd.s32 v3, v49;
	s9 =	simm.s32 $0x5E00  }
0x3b6: {  	[tilespmem:s9], [sflag:$0x1] =	stream.indirect_vreg.gather [hbm4b:s10+s3], $0x80, v18, vm0, $0xb8;
	[tilespmem:$0x1E080] =	vst v63  }
0x3b7: {  	v17 =	vadd.s32 v3, v17;
	s9 =	simm.s32 $0x5E80  }
0x3b8: {  	[tilespmem:s9], [sflag:$0x1] =	stream.indirect_vreg.gather [hbm4b:s10+s3], $0x80, v19, vm0, $0xb8;
	[tilespmem:$0x1E080] =	vst v63  }
0x3b9: {  	s9 =	simm.s32 $0x5F00  }
0x3ba: {  	[tilespmem:s9], [sflag:$0x1] =	stream.indirect_vreg.gather [hbm4b:s10+s3], $0x80, v50, vm0, $0xb8;
	[tilespmem:$0x1E080] =	vst v63  }
0x3bb: {  	s9 =	simm.s32 $0x5F80  }
0x3bc: {  	[tilespmem:s9], [sflag:$0x1] =	stream.indirect_vreg.gather [hbm4b:s10+s3], $0x80, v17, vm0, $0xb8;
	[tilespmem:$0x1E080] =	vst v63  }
0x3bd: {  	v17 =	vld.msk [tilespmem:s8+$0x170], $0x1fff;
	_ =	sdelay $0x4  }
0x3be: {  	v18 =	vshll.u32 v17, $0x1  }
0x3bf: {  	v17 =	vand.u32 $0x7, v17;
	v18 =	vand.u32 $0xFFFFFFF0, v18  }
0x3c0: {  	v17 =	vor.u32 v17, v18  }
0x3c1: {  	v18 =	vperm.xlane v17, v2;
	_ =	sdelay $0x1  }
0x3c2: {  	v19 =	vperm.xlane v17, v1;
	v18 =	vadd.s32 v3, v18;
	_ =	sdelay $0x1  }
0x3c3: {  	v51 =	vperm.xlane v17, v4;
	v19 =	vadd.s32 v3, v19;
	_ =	sdelay $0x1  }
0x3c4: {  	s9 =	simm.s32 $0x6000;
	v52 =	vperm.xlane v17, v5;
	v20 =	vadd.s32 v3, v51  }
0x3c5: {  	[tilespmem:s9], [sflag:$0x1] =	stream.indirect_vreg.gather [hbm4b:s10+s3], $0x80, v18, vm0, $0xb8;
	[tilespmem:$0x1E080] =	vst v63  }
0x3c6: {  	v53 =	vperm.xlane v17, v6;
	v18 =	vadd.s32 v3, v52;
	s9 =	simm.s32 $0x6080  }
0x3c7: {  	[tilespmem:s9], [sflag:$0x1] =	stream.indirect_vreg.gather [hbm4b:s10+s3], $0x80, v19, vm0, $0xb8;
	[tilespmem:$0x1E080] =	vst v63  }
0x3c8: {  	v54 =	vperm.xlane v17, v7;
	v19 =	vadd.s32 v3, v53;
	s9 =	simm.s32 $0x6100  }
0x3c9: {  	[tilespmem:s9], [sflag:$0x1] =	stream.indirect_vreg.gather [hbm4b:s10+s3], $0x80, v20, vm0, $0xb8;
	[tilespmem:$0x1E080] =	vst v63  }
0x3ca: {  	v56 =	vperm.xlane v17, v8;
	v55 =	vadd.s32 v3, v54;
	s9 =	simm.s32 $0x6180  }
0x3cb: {  	[tilespmem:s9], [sflag:$0x1] =	stream.indirect_vreg.gather [hbm4b:s10+s3], $0x80, v18, vm0, $0xb8;
	[tilespmem:$0x1E080] =	vst v63  }
0x3cc: {  	v57 =	vperm.xlane v17, v0;
	v18 =	vadd.s32 v3, v56;
	s9 =	simm.s32 $0x6200  }
0x3cd: {  	[tilespmem:s9], [sflag:$0x1] =	stream.indirect_vreg.gather [hbm4b:s10+s3], $0x80, v19, vm0, $0xb8;
	[tilespmem:$0x1E080] =	vst v63  }
0x3ce: {  	v58 =	vperm.xlane v17, v9;
	v19 =	vadd.s32 v3, v57;
	s9 =	simm.s32 $0x6280  }
0x3cf: {  	[tilespmem:s9], [sflag:$0x1] =	stream.indirect_vreg.gather [hbm4b:s10+s3], $0x80, v55, vm0, $0xb8;
	[tilespmem:$0x1E080] =	vst v63  }
0x3d0: {  	v60 =	vperm.xlane v17, v10;
	v59 =	vadd.s32 v3, v58;
	s9 =	simm.s32 $0x6300  }
0x3d1: {  	[tilespmem:s9], [sflag:$0x1] =	stream.indirect_vreg.gather [hbm4b:s10+s3], $0x80, v18, vm0, $0xb8;
	[tilespmem:$0x1E080] =	vst v63  }
0x3d2: {  	v61 =	vperm.xlane v17, v11;
	v18 =	vadd.s32 v3, v60;
	s9 =	simm.s32 $0x6380  }
0x3d3: {  	[tilespmem:s9], [sflag:$0x1] =	stream.indirect_vreg.gather [hbm4b:s10+s3], $0x80, v19, vm0, $0xb8;
	[tilespmem:$0x1E080] =	vst v63  }
0x3d4: {  	v19 =	vadd.s32 v3, v61;
	s9 =	simm.s32 $0x6400  }
0x3d5: {  	v62 =	vperm.xlane v17, v12;
	[tilespmem:s9], [sflag:$0x1] =	stream.indirect_vreg.gather [hbm4b:s10+s3], $0x80, v59, vm0, $0xb8;
	[tilespmem:$0x1E080] =	vst v63  }
0x3d6: {  	s9 =	simm.s32 $0x6480  }
0x3d7: {  	v17 =	vperm.xlane v17, v13;
	v63 =	vadd.s32 v3, v62;
	[tilespmem:s9], [sflag:$0x1] =	stream.indirect_vreg.gather [hbm4b:s10+s3], $0x80, v18, vm0, $0xb8;
	[tilespmem:$0x1E080] =	vst v63  }
0x3d8: {  	s9 =	simm.s32 $0x6500  }
0x3d9: {  	v17 =	vadd.s32 v3, v17;
	[tilespmem:s9], [sflag:$0x1] =	stream.indirect_vreg.gather [hbm4b:s10+s3], $0x80, v19, vm0, $0xb8;
	[tilespmem:$0x1E080] =	vst v63  }
.Ltmp5:
0x3da: {  	_ = 	snop;
	(pc) =	sbr.rel .LBB2_5-.Ltmp5, $4  }
0x3db: {  	s9 =	simm.s32 $0x6580  }
0x3dc: {  	[tilespmem:s9], [sflag:$0x1] =	stream.indirect_vreg.gather [hbm4b:s10+s3], $0x80, v63, vm0, $0xb8;
	[tilespmem:$0x1E080] =	vst v63  }
0x3dd: {  	s9 =	simm.s32 $0x6600  }
0x3de: {  	[tilespmem:s9], [sflag:$0x1] =	stream.indirect_vreg.gather [hbm4b:s10+s3], $0x80, v17, vm0, $0xb8;
	[tilespmem:$0x1E080] =	vst v63  }
.LBB2_7:
0x3df: {  	[bflag:$0x0] =	sbarrier.arrive $0xFFFF  }
0x3e0: {  	s8 =	rddreg [dreg:$0xb]  }
0x3e1: {  	s9 =	rddreg [dreg:$0xc]  }
0x3e2: {  	s18 =	rddreg [dreg:$0x8]  }
0x3e3: {  	s8 =	sadd.s32 s8, s9;
	s9 =	rddreg [dreg:$0xf]  }
0x3e4: {  	[hbm:s8], [sflag:s18] =	dma.local [spmem:s9], $0x2700  }
0x3e5: {  	_ =	swait.ge [sflag:s16], $0x2700  }
0x3e6: {  	[sflag:s16] =	ssyncset.done $0x0  }
0x3e7: {  	[sflag:s16] =	ssyncadd.s32 $0xFFFFD900  }
0x3e8: {  	[bflag:$0x0] =	sbarrier.arrive @p0 $0xFFFF  }
0x3e9: {  	s8 =	rddreg [dreg:$0x7]  }
0x3ea: {  	s9 =	rddreg [dreg:$0x5];
	s8 =	sshrl.u32 @p0 s8, $0x3  }
0x3eb: {  	[spmem:s8], [sflag:s18] =	dma.local @p0 [hbm:s9], $0x2700  }
0x3ec: {  	s8 =	simm.s32 @p0 $0x3  }
0x3ed: {  	_ =	swait.ge @p0 [sflag:s8], $0x2700  }
0x3ee: {  	[sflag:s8] =	ssyncset.done @p0 $0x0  }
0x3ef: {  	[sflag:s8] =	ssyncadd.s32 @p0 $0xFFFFD900;
	s8 =	rddreg [dreg:$0xc]  }
0x3f0: {  	s9 =	rddreg [dreg:$0x10];
	s8 =	sadd.s32 @!p0 $0x27000, s8  }
0x3f1: {  	[hbm:s8], [sflag:s18] =	dma.local @!p0 [spmem:s9], $0x100  }
0x3f2: {  	s8 =	simm.s32 @!p0 $0x3  }
0x3f3: {  	_ =	swait.ge @!p0 [sflag:s8], $0x100  }
0x3f4: {  	[sflag:s8] =	ssyncset.done @!p0 $0x0  }
0x3f5: {  	[sflag:s8] =	ssyncadd.s32 @!p0 $0xFFFFFF00  }
0x3f6: {  	[bflag:$0x0] =	sbarrier.arrive @!p0 $0xFFFF  }
0x3f7: {  	s9 =	rddreg [dreg:$0x7]  }
0x3f8: {  	s18 =	rddreg [dreg:$0x5]  }
0x3f9: {  	s8 =	rddreg [dreg:$0x8];
	s9 =	sshrl.u32 @!p0 s9, $0x3  }
0x3fa: {  	[spmem:s9], [sflag:s8] =	dma.local @!p0 [hbm:s18], $0x2700  }
0x3fb: {  	s8 =	simm.s32 @!p0 $0x3  }
0x3fc: {  	_ =	swait.ge @!p0 [sflag:s8], $0x2700  }
0x3fd: {  	s18 =	rddreg [dreg:$0x10]  }
0x3fe: {  	[sflag:s8] =	ssyncset.done @!p0 $0x0;
	s9 =	rddreg [dreg:$0x8]  }
0x3ff: {  	[sflag:s8] =	ssyncadd.s32 @!p0 $0xFFFFD900;
	s8 =	rddreg [dreg:$0x5]  }
0x400: {  	[spmem:s18], [sflag:s9] =	dma.local @!p0 [hbm:s8], $0x100  }
0x401: {  	s8 =	simm.s32 @!p0 $0x3  }
0x402: {  	_ =	swait.ge @!p0 [sflag:s8], $0x100  }
0x403: {  	[sflag:s8] =	ssyncset.done @!p0 $0x0  }
0x404: {  	s18 =	rddreg [dreg:$0x6];
	[sflag:s8] =	ssyncadd.s32 @!p0 $0xFFFFFF00;
	s8 =	simm.s32 $0x0  }
0x405: {  	[tilespmem:s19], [sflag:$0x3] =	stream.linear.gather [hbm4b:s18+s8], $0x3E80, $0x38;
	[tilespmem:$0x1E080] =	vst v63  }
0x406: {  	_ =	swait.ge [sflag:s16], $0x3E80  }
0x407: {  	[sflag:s16] =	ssyncset.done $0x0  }
0x408: {  	s9 =	simm.s32 $0x1400;
	s18 =	rddreg [dreg:$0x11];
	[sflag:s16] =	ssyncadd.s32 $0xFFFFC180  }
0x409: {  	[tilespmem:s9], [sflag:$0x3] =	stream.linear.gather [hbm4b:s18+s8], $0x1400, $0x38;
	[tilespmem:$0x1E080] =	vst v63  }
0x40a: {  	_ =	swait.ge [sflag:s16], $0x1400  }
0x40b: {  	[sflag:s16] =	ssyncset.done $0x0  }
0x40c: {  	[sflag:s16] =	ssyncadd.s32 $0xFFFFEC00  }
0x40d: {  	s18 =	simm.s32 $0x1400;
	[bflag:$0x0] =	sbarrier.arrive $0xFFFF  }
0x40e: {  	[spmem:s2] =	stream.indirect.scatter.add.f32 [tilespmem:s19], [sflag:$0x3], $0x80, s18, s4, $0xb8;
	[tilespmem:$0x1E080] =	vst v63  }
0x40f: {  	s8 =	simm.s32 $0x200;
	_ =	swait.ge [sflag:s16], $0x3E80  }
.LBB2_8:
0x410: {  	s9 =	sshra.s32 s8, $0x2;
	[sflag:s16] =	ssyncset.done $0x0;
	p1 =	sne.s32 s8, $0x4E00  }
.Ltmp6:
0x411: {  	s9 =	sadd.s32 $0x1400, s9;
	[sflag:s16] =	ssyncadd.s32 $0xFFFFC180;
	(pc) =	sbr.rel @p1 .LBB2_8-.Ltmp6, $3  }
0x412: {  	[spmem:s2] =	stream.indirect.scatter.add.f32 [tilespmem:s19], [sflag:$0x3], $0x80, s9, s4, $0xb8;
	[tilespmem:$0x1E080] =	vst v63  }
0x413: {  	s8 =	sadd.s32 $0x200, s8;
	_ =	sdelay $0x1  }
0x414: {  	_ =	swait.ge [sflag:s16], $0x3E80  }
0x415: {  	[sflag:s16] =	ssyncset.done $0x0  }
0x416: {  	[sflag:s16] =	ssyncadd.s32 $0xFFFFC180  }
0x417: {  	[bflag:$0x0] =	sbarrier.arrive $0xFFFF  }
0x418: {  	s8 =	rddreg [dreg:$0xb]  }
0x419: {  	s9 =	rddreg [dreg:$0xd]  }
0x41a: {  	s18 =	rddreg [dreg:$0xf]  }
0x41b: {  	s8 =	sadd.s32 s8, s9;
	s9 =	rddreg [dreg:$0x8]  }
0x41c: {  	[hbm:s8], [sflag:s9] =	dma.local [spmem:s18], $0x2700  }
0x41d: {  	_ =	swait.ge [sflag:s16], $0x2700  }
0x41e: {  	[sflag:s16] =	ssyncset.done $0x0;
	s8 =	rddreg [dreg:$0xd]  }
0x41f: {  	s18 =	rddreg [dreg:$0x10];
	[sflag:s16] =	ssyncadd.s32 $0xFFFFD900;
	s8 =	sadd.s32 @!p0 $0x27000, s8  }
0x420: {  	[hbm:s8], [sflag:s9] =	dma.local @!p0 [spmem:s18], $0x100  }
0x421: {  	s18 =	simm.s32 @!p0 $0x3  }
0x422: {  	_ =	swait.ge @!p0 [sflag:s18], $0x100  }
0x423: {  	s9 =	rddreg [dreg:$0x12]  }
0x424: {  	s8 =	sadd.s32 $0x1, s9;
	s9 =	rddreg [dreg:$0xe]  }
0x425: {  	p1 =	sne.s32 s8, s9  }
.Ltmp7:
0x426: {  	_ = 	snop;
	(pc) =	sbr.rel @p1 .LBB2_1-.Ltmp7, $3  }
0x427: {  	_ =	sdelay $0x1  }
0x428: {  	[sflag:s18] =	ssyncset.done @!p0 $0x0;
	[dreg:$0x12] =	wrdreg s8;
	s8 =	simm.s32 @!p0 $0x3  }
0x429: {  	[sflag:s8] =	ssyncadd.s32 @!p0 $0xFFFFFF00  }
0x42a: {  	_ =	sfence.sel $0x180000  }
0x42b: {  	[bflag:$0x0] =	sbarrier.arrive $0xFFFF  }
0x42c: {  	_ =	strace $0x90000047  }
0x42d: {  	s0 =	stileid.u32;
	[bflag:$0x2] =	sbarrier.arrive $0xFFFF  }
0x42e: {  	p0 =	sne.s32 s0, $0x0;
	s0 =	rddreg [dreg:$0x4]  }
0x42f: {  	s0 =	sadd.s32 @!p0 $0x100000, s0  }
0x430: {  	[sflag:s0] =	ssyncadd.tile.s32 @!p0 $0x1;
	_ =	shalt  }
.Lfunc_end2:
_tile_overlayer_lowered:
.L_overlay_start_2:
0x431: {  	(tag) =	ssettag $0x2  }
0x432: {  	s0 =	rddreg [dreg:$0x0];
	s2 =	stileid.u32  }
0x433: {  	s1 =	rddreg [dreg:$0x1];
	p0 =	sne.s32 s2, $0x0  }
0x434: {  	s3 =	rddreg [dreg:$0x2];
	[bflag:$0x3] =	sbarrier.arrive $0xFFFF;
	s2 =	simm.s32 @!p0 $0x1C03  }
0x435: {  	[timem:s3], [sflag:s2] =	dma.local @!p0 [hbm:s0], s1  }
0x436: {  	s0 =	simm.s32 @!p0 $0x3  }
0x437: {  	_ =	swait.ge @!p0 [sflag:s0], s1  }
0x438: {  	s1 =	ssub.s32 @!p0 $0x0, s1;
	[sflag:s0] =	ssyncset.done @!p0 $0x0  }
0x439: {  	[sflag:s0] =	ssyncadd.s32 @!p0 s1  }
0x43a: {  	[bflag:$0x3] =	sbarrier.arrive $0xFFFF  }
0x43b: {  	_ =	shalt  }

</sc_bundles>
